<compile_context>
chip_gen: v7x
topology: tpu7x:2x2x1
jax: 0.10.2.dev20260603
libtpu: 0.0.44.dev20260713+nightly
codegen_flags: <defaults>
</compile_context>

<pallas_src>
import jax
import jax.numpy as jnp
from jax.experimental import pallas as pl
from jax.experimental.pallas import tpu as pltpu
from jax.experimental.pallas import tpu_sc as plsc

B = 16
HID = 2048
NH = 16
NOPE = 64
ROPE = 32
VD = 64
QD = NOPE + ROPE
E = 8
INTER = 1408
KV = 2048
EPS = 1e-06
SCALE = QD ** -0.5

HD = NH * NOPE
BLK = 256
NBLK = KV // BLK
CHUNK = 128
NC = INTER // CHUNK
E2 = E // 2

_F32 = jnp.float32
_DN = (((1,), (1,)), ((), ()))
def _rms(x, w):
    return x * jax.lax.rsqrt(jnp.mean(x * x, axis=-1, keepdims=True) + EPS) * w


PRE_C = 4
QC = HD // PRE_C
KC = HD // PRE_C


def _pre_body(x_ref, w_ref, wq_ref, wkc_ref, wvc_ref, qn_ref, kc_ref, vc_ref):
    xn = _rms(x_ref[...], w_ref[...])
    wq = wq_ref[...].reshape(QC, HID)
    qn_ref[...] = jax.lax.dot_general(xn, wq, _DN,
                                      preferred_element_type=_F32) * SCALE
    kc_ref[...] = jax.lax.dot_general(xn, wkc_ref[...], _DN,
                                      preferred_element_type=_F32)
    vc_ref[...] = jax.lax.dot_general(xn, wvc_ref[...], _DN,
                                      preferred_element_type=_F32)


def _attn_body(sl_ref, q_ref, kc_ref, vc_ref, kb_ref, vb_ref,
               o_ref, q3s, acc, m, l):
    b = pl.program_id(0)
    j = pl.program_id(1)
    ncache = sl_ref[b] - 1
    nb = (ncache + BLK - 1) // BLK

    @pl.when(j == 0)
    def _init():
        q3 = q_ref[...].reshape(NH, NOPE)
        q3s[...] = q3
        kc3 = kc_ref[...].reshape(NH, NOPE)
        s_cur = jnp.sum(q3 * kc3, axis=1, keepdims=True)
        m[...] = s_cur
        l[...] = jnp.ones_like(s_cur)
        acc[...] = vc_ref[...].reshape(NH, NOPE)

    @pl.when(j < nb)
    def _block():
        kb3 = kb_ref[...].reshape(BLK, NH, NOPE)
        vb3 = vb_ref[...].reshape(BLK, NH, NOPE)
        prod3 = kb3 * q3s[...][None]
        s = jnp.sum(prod3, axis=2)
        pos = j * BLK + jax.lax.broadcasted_iota(jnp.int32, (BLK, NH), 0)
        s = jnp.where(pos < ncache, s, -1e30)
        bm = jnp.max(s, axis=0, keepdims=True)
        new_m = jnp.maximum(m[...].T, bm)
        new_mc = new_m.T
        corr = jnp.exp(m[...] - new_mc)
        p = jnp.exp(s - new_m)
        l[...] = l[...] * corr + jnp.sum(p, axis=0, keepdims=True).T
        m[...] = new_mc
        pv3 = jax.lax.broadcast_in_dim(p, (BLK, NH, NOPE), (0, 1))
        acc[...] = acc[...] * corr + jnp.sum(pv3 * vb3, axis=0)

    @pl.when(j == NBLK - 1)
    def _fin():
        o_ref[...] = (acc[...] / l[...]).reshape(1, NH, NOPE)


def _mid_body(ao_ref, x_ref, wo_ref, wn_ref, wg_ref, wse_ref, wsd_ref,
              h2_ref, wt_ref, base_ref):
    attn_res = jax.lax.dot_general(ao_ref[...], wo_ref[...], _DN,
                                   preferred_element_type=_F32)
    resid = x_ref[...] + attn_res
    h2 = _rms(resid, wn_ref[...])
    h2_ref[...] = h2
    wt_ref[...] = jax.lax.dot_general(wg_ref[...], h2, _DN,
                                      preferred_element_type=_F32)
    su = jax.lax.dot_general(h2, wse_ref[...], _DN,
                             preferred_element_type=_F32)
    sg = su[:, :INTER]
    uu = su[:, INTER:]
    act = sg * jax.nn.sigmoid(sg) * uu
    shared = jax.lax.dot_general(act, wsd_ref[...], _DN,
                                 preferred_element_type=_F32)
    base_ref[...] = resid + shared


def _route_sc_body(lg_hbm, out_hbm, lg_v, wt_v):
    cid = jax.lax.axis_index("c")
    sid = jax.lax.axis_index("s")

    @pl.when((cid == 0) & (sid == 0))
    def _():
        pltpu.sync_copy(lg_hbm, lg_v)
        rows = [lg_v[e, :] for e in range(E)]
        m1 = rows[0]
        for e in range(1, E):
            m1 = jnp.maximum(m1, rows[e])
        i1 = jnp.full((B,), E, jnp.int32)
        for e in range(E - 1, -1, -1):
            i1 = jnp.where(rows[e] == m1, jnp.int32(e), i1)
        neg = jnp.full((B,), -jnp.inf, jnp.float32)
        m2 = neg
        for e in range(E):
            m2 = jnp.maximum(m2, jnp.where(i1 == e, neg, rows[e]))
        i2 = jnp.full((B,), E, jnp.int32)
        for e in range(E - 1, -1, -1):
            v = jnp.where(i1 == e, neg, rows[e])
            i2 = jnp.where(v == m2, jnp.int32(e), i2)
        e2 = jnp.exp(m2 - m1)
        d = 1.0 + e2
        wa = 1.0 / d
        wb = e2 / d
        z = jnp.zeros((B,), jnp.float32)
        for e in range(E):
            wt_v[e, :] = jnp.where(i1 == e, wa, z) + jnp.where(i2 == e, wb, z)
        pltpu.sync_copy(wt_v, out_hbm)


def _route_sc(lgt):
    return pl.kernel(
        _route_sc_body,
        out_type=jax.ShapeDtypeStruct((E, B), jnp.float32),
        mesh=plsc.VectorSubcoreMesh(core_axis_name="c", subcore_axis_name="s"),
        scratch_types=[pltpu.VMEM((E, B), jnp.float32),
                       pltpu.VMEM((E, B), jnp.float32)],
    )(lgt)


def _moe_body(x_ref, base_ref, wta_ref, wtb_ref, w1ga_ref, w1ua_ref,
              w2a_ref, w1gb_ref, w1ub_ref, w2b_ref, o_ref):
    p = pl.program_id(0)
    c = pl.program_id(1)

    @pl.when((p == 0) & (c == 0))
    def _seed():
        o_ref[...] = base_ref[...]

    x = x_ref[...]

    def _contrib(w1g_ref, w1u_ref, w2_ref, wt_ref):
        g = jax.lax.dot_general(x, w1g_ref[...].reshape(CHUNK, HID), _DN,
                                preferred_element_type=_F32)
        u = jax.lax.dot_general(x, w1u_ref[...].reshape(CHUNK, HID), _DN,
                                preferred_element_type=_F32)
        act = g * jax.nn.sigmoid(g) * u * wt_ref[...].reshape(B, 1)
        return jax.lax.dot_general(act, w2_ref[...].reshape(HID, CHUNK),
                                   _DN, preferred_element_type=_F32)

    o_ref[...] += (_contrib(w1ga_ref, w1ua_ref, w2a_ref, wta_ref)
                   + _contrib(w1gb_ref, w1ub_ref, w2b_ref, wtb_ref))


def kernel(hidden_states, positions, kv_cache, seq_lens, slot_mapping,
           ln1_w, ln2_w, Wq, Wkv, Wo, Wg, w1, w2, Wse, Wsd):
    x = hidden_states[:, 0, :]
    sl = jnp.maximum(seq_lens, 1).astype(jnp.int32)
    Wq3 = Wq.reshape(NH, QD, HID)

    q_nope, k_cur, v_cur = pl.pallas_call(
        _pre_body,
        grid=(PRE_C,),
        in_specs=[
            pl.BlockSpec((B, HID), lambda c: (0, 0)),
            pl.BlockSpec((1, HID), lambda c: (0, 0)),
            pl.BlockSpec((NH // PRE_C, NOPE, HID), lambda c: (c, 0, 0)),
            pl.BlockSpec((KC, HID), lambda c: (c, 0)),
            pl.BlockSpec((KC, HID), lambda c: (PRE_C + c, 0)),
        ],
        out_specs=[pl.BlockSpec((B, QC), lambda c: (0, c)),
                   pl.BlockSpec((B, KC), lambda c: (0, c)),
                   pl.BlockSpec((B, KC), lambda c: (0, c))],
        out_shape=[jax.ShapeDtypeStruct((B, HD), _F32),
                   jax.ShapeDtypeStruct((B, HD), _F32),
                   jax.ShapeDtypeStruct((B, HD), _F32)],
    )(x, ln1_w.reshape(1, HID), Wq3, Wkv, Wkv)

    q_nope = q_nope.reshape(B, NH, NOPE)
    k_cur = k_cur.reshape(B, NH, NOPE)
    v_cur = v_cur.reshape(B, NH, NOPE)

    def _kv_idx(part):
        def idx(b, j, sl_ref):
            nb = (sl_ref[b] - 1 + BLK - 1) // BLK
            return (part, b, jnp.minimum(j, jnp.maximum(nb - 1, 0)), 0)
        return idx

    kvm = kv_cache.reshape(2, B, KV * NH, NOPE)

    attn_out = pl.pallas_call(
        _attn_body,
        grid_spec=pltpu.PrefetchScalarGridSpec(
            num_scalar_prefetch=1,
            grid=(B, NBLK),
            in_specs=[
                pl.BlockSpec((1, NH, NOPE), lambda b, j, s: (b, 0, 0)),
                pl.BlockSpec((1, NH, NOPE), lambda b, j, s: (b, 0, 0)),
                pl.BlockSpec((1, NH, NOPE), lambda b, j, s: (b, 0, 0)),
                pl.BlockSpec((1, 1, BLK * NH, NOPE), _kv_idx(0)),
                pl.BlockSpec((1, 1, BLK * NH, NOPE), _kv_idx(1)),
            ],
            out_specs=pl.BlockSpec((1, NH, NOPE), lambda b, j, s: (b, 0, 0)),
            scratch_shapes=[pltpu.VMEM((NH, NOPE), _F32),
                            pltpu.VMEM((NH, NOPE), _F32),
                            pltpu.VMEM((NH, 1), _F32),
                            pltpu.VMEM((NH, 1), _F32)],
        ),
        out_shape=jax.ShapeDtypeStruct((B, NH, NOPE), _F32),
        compiler_params=pltpu.CompilerParams(
            dimension_semantics=("arbitrary", "arbitrary")),
    )(sl, q_nope, k_cur, v_cur, kvm, kvm)

    h2, lgt, base = pl.pallas_call(
        _mid_body,
        out_shape=[jax.ShapeDtypeStruct((B, HID), _F32),
                   jax.ShapeDtypeStruct((E, B), _F32),
                   jax.ShapeDtypeStruct((B, HID), _F32)],
    )(attn_out.reshape(B, HD), x, Wo, ln2_w.reshape(1, HID), Wg, Wse, Wsd)

    wt3 = _route_sc(lgt)[:, :, None]

    out = pl.pallas_call(
        _moe_body,
        grid=(E2, NC),
        in_specs=[
            pl.BlockSpec((B, HID), lambda p, c: (0, 0)),
            pl.BlockSpec((B, HID), lambda p, c: (0, 0)),
            pl.BlockSpec((1, B, 1), lambda p, c: (2 * p, 0, 0)),
            pl.BlockSpec((1, B, 1), lambda p, c: (2 * p + 1, 0, 0)),
            pl.BlockSpec((1, CHUNK, HID), lambda p, c: (2 * p, c, 0)),
            pl.BlockSpec((1, CHUNK, HID), lambda p, c: (2 * p, NC + c, 0)),
            pl.BlockSpec((1, HID, CHUNK), lambda p, c: (2 * p, 0, c)),
            pl.BlockSpec((1, CHUNK, HID), lambda p, c: (2 * p + 1, c, 0)),
            pl.BlockSpec((1, CHUNK, HID),
                         lambda p, c: (2 * p + 1, NC + c, 0)),
            pl.BlockSpec((1, HID, CHUNK), lambda p, c: (2 * p + 1, 0, c)),
        ],
        out_specs=pl.BlockSpec((B, HID), lambda p, c: (0, 0)),
        out_shape=jax.ShapeDtypeStruct((B, HID), _F32),
    )(h2, base, wt3, wt3, w1, w1, w2, w1, w1, w2)

    return out[:, None, :]

# --- scband reference (transcript-rebuilt; emitter-appended) ---
"""Pipeline reference for scband-glm-layer-80968723464473 (READ-ONLY COPY).

The authoritative reference and input builder live on the scoring server;
editing this copy changes nothing except your own understanding.
"""

import jax, jax.numpy as jnp
import numpy as np

B = 16
S = 1
HID = 2048
NH = 16
NOPE = 64
ROPE = 32
VD = 64
QD = NOPE + ROPE
E = 8
TOPK = 2
INTER = 1408
NSHARED = 1
SH = INTER * NSHARED
KV = 2048
EPS = 1e-06
SCALE = QD ** -0.5


def rmsnorm(x, w):
    return x * jax.lax.rsqrt(jnp.mean(x * x, axis=-1, keepdims=True) + EPS) * w


def setup_inputs(seed: int = 0):
    key = jax.random.key(seed)
    ks = jax.random.split(key, 16)
    hidden_states = jax.random.normal(ks[0], (B, S, HID), dtype=jnp.float32)
    positions = jax.random.randint(ks[1], (B,), 0, KV, dtype=jnp.int32)
    kv_cache = jax.random.normal(ks[2], (2, B, KV, NH, NOPE), dtype=jnp.float32)
    seq_lens = jax.random.randint(ks[3], (B,), 1, KV, dtype=jnp.int32)
    slot_mapping = jax.random.randint(ks[4], (B,), 0, B * KV, dtype=jnp.int64)
    ln1_w = jnp.ones((HID,), jnp.float32)
    ln2_w = jnp.ones((HID,), jnp.float32)
    Wq = jax.random.normal(ks[5], (NH * QD, HID), dtype=jnp.float32) * 0.02
    Wkv = jax.random.normal(ks[6], (NH * (NOPE + VD) + ROPE, HID), dtype=jnp.float32) * 0.02
    Wo = jax.random.normal(ks[7], (HID, NH * VD), dtype=jnp.float32) * 0.02
    Wg = jax.random.normal(ks[8], (E, HID), dtype=jnp.float32) * 0.02
    w1 = jax.random.normal(ks[9], (E, 2 * INTER, HID), dtype=jnp.float32) * 0.02
    w2 = jax.random.normal(ks[10], (E, HID, INTER), dtype=jnp.float32) * 0.02
    Wse = jax.random.normal(ks[11], (2 * SH, HID), dtype=jnp.float32) * 0.02
    Wsd = jax.random.normal(ks[12], (HID, SH), dtype=jnp.float32) * 0.02
    return {"hidden_states": hidden_states, "positions": positions, "kv_cache": kv_cache, "seq_lens": seq_lens, "slot_mapping": slot_mapping, "ln1_w": ln1_w, "ln2_w": ln2_w, "Wq": Wq, "Wkv": Wkv, "Wo": Wo, "Wg": Wg, "w1": w1, "w2": w2, "Wse": Wse, "Wsd": Wsd}


def reference(hidden_states, positions, kv_cache, seq_lens, slot_mapping, ln1_w, ln2_w, Wq, Wkv, Wo, Wg, w1, w2, Wse, Wsd):
    seq_lens = jnp.maximum(seq_lens, 1)
    # input layernorm
    h = rmsnorm(hidden_states, ln1_w)
    # MLA attention (decode step, nope path of paged attention)
    q = h @ Wq.T  # [B, S, NH*QD]
    kv = h @ Wkv.T  # [B, S, NH*(NOPE+VD)+ROPE]
    q_nope = q[:, -1, :].reshape(B, NH, QD)[:, :, :NOPE]
    k_cur = kv[:, -1, : NH * NOPE].reshape(B, NH, NOPE)
    v_cur = kv[:, -1, NH * NOPE : NH * (NOPE + VD)].reshape(B, NH, VD)
    k_cache = kv_cache[0]
    v_cache = kv_cache[1]
    bidx = jnp.arange(B)
    widx = seq_lens - 1
    # write current token kv into cache (slot_mapping equivalent)
    k_cache = k_cache.at[bidx, widx].set(k_cur)
    v_cache = v_cache.at[bidx, widx].set(v_cur)
    scores = jnp.einsum("bhd,bkhd->bhk", q_nope, k_cache) * SCALE
    mask = jnp.arange(KV)[None, None, :] < seq_lens[:, None, None]
    scores = jnp.where(mask, scores, jnp.finfo(scores.dtype).min)
    attn = jax.nn.softmax(scores, axis=-1)
    out = jnp.einsum("bhk,bkhd->bhd", attn, v_cache).reshape(B, 1, NH * VD)
    attn_res = out @ Wo.T  # [B, 1, HID]
    resid = hidden_states[:, -1:, :] + attn_res
    # MoE MLP
    h2 = rmsnorm(resid, ln2_w)
    x2 = h2[:, -1, :]  # [B, HID]
    logits = x2 @ Wg.T  # [B, E]
    probs = jax.nn.softmax(logits, axis=-1)
    tw, ti = jax.lax.top_k(probs, TOPK)
    tw = tw / jnp.sum(tw, axis=-1, keepdims=True)
    gu = jnp.einsum("bh,eih->ebi", x2, w1)  # [E, B, 2*INTER]
    g = gu[..., :INTER]
    u = gu[..., INTER:]
    act = jax.nn.silu(g) * u
    eo = jnp.einsum("ebi,ehi->ebh", act, w2)  # [E, B, HID]
    wmat = jnp.zeros((B, E), dtype=x2.dtype).at[bidx[:, None], ti].add(tw)
    routed = jnp.einsum("be,ebh->bh", wmat, eo)
    # shared experts
    su = x2 @ Wse.T
    sg, suu = jnp.split(su, 2, axis=-1)
    shared = (jax.nn.silu(sg) * suu) @ Wsd.T
    mlp_out = (routed + shared)[:, None, :]
    return resid + mlp_out

if __name__ == "__main__":
    import jax
    _d = setup_inputs()
    print(jax.jit(kernel)(*tuple(_d.values())))

</pallas_src>

<mosaic_0001>
#map = affine_map<(d0, d1) -> (0, 0)>
module attributes {stable_mosaic.version = 14 : i64} {
  func.func @_route_sc_body(%arg0: i32, %arg1: i32, %arg2: memref<8x16xf32, #tpu.memory_space<hbm>>, %arg3: memref<8x16xf32, #tpu.memory_space<hbm>>, %arg4: memref<8x16xf32, #tpu.memory_space<vmem>>, %arg5: memref<8x16xf32, #tpu.memory_space<vmem>>) attributes {dimension_semantics = [#tpu.dimension_semantics<core_parallel>, #tpu.dimension_semantics<subcore_parallel>], iteration_bounds = array<i64: 2, 16>, scalar_prefetch = 0 : i64, scratch_operands = 2 : i64, tpu.core_type = #tpu.core_type<sc_vector_subcore>, window_params = [{transform_indices = #map}, {transform_indices = #map}]} {
    %eq3A = arith.constant 0 : i32
    %eq3A_0 = arith.cmpi eq, %arg0, %eq3A : i32
    %eq3A_1 = arith.constant 0 : i32
    %eq3A_2 = arith.cmpi eq, %arg1, %eq3A_1 : i32
    %and3A = arith.andi %eq3A_0, %eq3A_2 : i1
    %convert_element_type3A = arith.extui %and3A : i1 to i32
    %cond3A = arith.constant 0 : i32
    %cond3A_3 = arith.cmpi ne, %convert_element_type3A, %cond3A : i32
    scf.if %cond3A_3 {
      "tpu.region"() ({
        %run_scoped3A = tpu.sem_alloc : memref<!tpu.dma_semaphore, #tpu.memory_space<semaphore_mem>>
        tpu.enqueue_dma source(%arg2 : memref<8x16xf32, #tpu.memory_space<hbm>>) target(%arg4 : memref<8x16xf32, #tpu.memory_space<vmem>>) target_semaphore(%run_scoped3A : memref<!tpu.dma_semaphore, #tpu.memory_space<semaphore_mem>>)
        tpu.wait_dma2 semaphore(%run_scoped3A : memref<!tpu.dma_semaphore, #tpu.memory_space<semaphore_mem>>) src(%arg2 : memref<8x16xf32, #tpu.memory_space<hbm>>) dst(%arg4 : memref<8x16xf32, #tpu.memory_space<vmem>>)
        tpu.yield
      }) : () -> ()
      %get3A = arith.constant 0 : i32
      %get3A_4 = arith.index_cast %get3A : i32 to index
      %get3A_5 = arith.constant 0 : index
      %get3A_6 = tpu.vector_load %arg4[%get3A_4, %get3A_5] {strides = array<i32>} : memref<8x16xf32, #tpu.memory_space<vmem>>, vector<1x16xf32>,
      %get3A_7 = vector.shape_cast %get3A_6 : vector<1x16xf32> to vector<16xf32>
      %get3A_8 = arith.constant 1 : i32
      %get3A_9 = arith.index_cast %get3A_8 : i32 to index
      %get3A_10 = arith.constant 0 : index
      %get3A_11 = tpu.vector_load %arg4[%get3A_9, %get3A_10] {strides = array<i32>} : memref<8x16xf32, #tpu.memory_space<vmem>>, vector<1x16xf32>,
      %get3A_12 = vector.shape_cast %get3A_11 : vector<1x16xf32> to vector<16xf32>
      %get3A_13 = arith.constant 2 : i32
      %get3A_14 = arith.index_cast %get3A_13 : i32 to index
      %get3A_15 = arith.constant 0 : index
      %get3A_16 = tpu.vector_load %arg4[%get3A_14, %get3A_15] {strides = array<i32>} : memref<8x16xf32, #tpu.memory_space<vmem>>, vector<1x16xf32>,
      %get3A_17 = vector.shape_cast %get3A_16 : vector<1x16xf32> to vector<16xf32>
      %get3A_18 = arith.constant 3 : i32
      %get3A_19 = arith.index_cast %get3A_18 : i32 to index
      %get3A_20 = arith.constant 0 : index
      %get3A_21 = tpu.vector_load %arg4[%get3A_19, %get3A_20] {strides = array<i32>} : memref<8x16xf32, #tpu.memory_space<vmem>>, vector<1x16xf32>,
      %get3A_22 = vector.shape_cast %get3A_21 : vector<1x16xf32> to vector<16xf32>
      %get3A_23 = arith.constant 4 : i32
      %get3A_24 = arith.index_cast %get3A_23 : i32 to index
      %get3A_25 = arith.constant 0 : index
      %get3A_26 = tpu.vector_load %arg4[%get3A_24, %get3A_25] {strides = array<i32>} : memref<8x16xf32, #tpu.memory_space<vmem>>, vector<1x16xf32>,
      %get3A_27 = vector.shape_cast %get3A_26 : vector<1x16xf32> to vector<16xf32>
      %get3A_28 = arith.constant 5 : i32
      %get3A_29 = arith.index_cast %get3A_28 : i32 to index
      %get3A_30 = arith.constant 0 : index
      %get3A_31 = tpu.vector_load %arg4[%get3A_29, %get3A_30] {strides = array<i32>} : memref<8x16xf32, #tpu.memory_space<vmem>>, vector<1x16xf32>,
      %get3A_32 = vector.shape_cast %get3A_31 : vector<1x16xf32> to vector<16xf32>
      %get3A_33 = arith.constant 6 : i32
      %get3A_34 = arith.index_cast %get3A_33 : i32 to index
      %get3A_35 = arith.constant 0 : index
      %get3A_36 = tpu.vector_load %arg4[%get3A_34, %get3A_35] {strides = array<i32>} : memref<8x16xf32, #tpu.memory_space<vmem>>, vector<1x16xf32>,
      %get3A_37 = vector.shape_cast %get3A_36 : vector<1x16xf32> to vector<16xf32>
      %get3A_38 = arith.constant 7 : i32
      %get3A_39 = arith.index_cast %get3A_38 : i32 to index
      %get3A_40 = arith.constant 0 : index
      %get3A_41 = tpu.vector_load %arg4[%get3A_39, %get3A_40] {strides = array<i32>} : memref<8x16xf32, #tpu.memory_space<vmem>>, vector<1x16xf32>,
      %get3A_42 = vector.shape_cast %get3A_41 : vector<1x16xf32> to vector<16xf32>
      %max3A = arith.maximumf %get3A_7, %get3A_12 : vector<16xf32>
      %max3A_43 = arith.maximumf %max3A, %get3A_17 : vector<16xf32>
      %max3A_44 = arith.maximumf %max3A_43, %get3A_22 : vector<16xf32>
      %max3A_45 = arith.maximumf %max3A_44, %get3A_27 : vector<16xf32>
      %max3A_46 = arith.maximumf %max3A_45, %get3A_32 : vector<16xf32>
      %max3A_47 = arith.maximumf %max3A_46, %get3A_37 : vector<16xf32>
      %max3A_48 = arith.maximumf %max3A_47, %get3A_42 : vector<16xf32>
      %broadcast_in_dim3A = arith.constant 8 : i32
      %broadcast_in_dim3A_49 = vector.broadcast %broadcast_in_dim3A : i32 to vector<16xi32>
      %eq3A_50 = arith.cmpf oeq, %get3A_42, %max3A_48 : vector<16xf32>
      %jit3A = arith.constant 7 : i32
      %broadcast_in_dim3A_51 = vector.broadcast %jit3A : i32 to vector<16xi32>
      %select_n3A = arith.select %eq3A_50, %broadcast_in_dim3A_51, %broadcast_in_dim3A_49 : vector<16xi1>, vector<16xi32>
      %eq3A_52 = arith.cmpf oeq, %get3A_37, %max3A_48 : vector<16xf32>
      %jit3A_53 = arith.constant 6 : i32
      %broadcast_in_dim3A_54 = vector.broadcast %jit3A_53 : i32 to vector<16xi32>
      %select_n3A_55 = arith.select %eq3A_52, %broadcast_in_dim3A_54, %select_n3A : vector<16xi1>, vector<16xi32>
      %eq3A_56 = arith.cmpf oeq, %get3A_32, %max3A_48 : vector<16xf32>
      %jit3A_57 = arith.constant 5 : i32
      %broadcast_in_dim3A_58 = vector.broadcast %jit3A_57 : i32 to vector<16xi32>
      %select_n3A_59 = arith.select %eq3A_56, %broadcast_in_dim3A_58, %select_n3A_55 : vector<16xi1>, vector<16xi32>
      %eq3A_60 = arith.cmpf oeq, %get3A_27, %max3A_48 : vector<16xf32>
      %jit3A_61 = arith.constant 4 : i32
      %broadcast_in_dim3A_62 = vector.broadcast %jit3A_61 : i32 to vector<16xi32>
      %select_n3A_63 = arith.select %eq3A_60, %broadcast_in_dim3A_62, %select_n3A_59 : vector<16xi1>, vector<16xi32>
      %eq3A_64 = arith.cmpf oeq, %get3A_22, %max3A_48 : vector<16xf32>
      %jit3A_65 = arith.constant 3 : i32
      %broadcast_in_dim3A_66 = vector.broadcast %jit3A_65 : i32 to vector<16xi32>
      %select_n3A_67 = arith.select %eq3A_64, %broadcast_in_dim3A_66, %select_n3A_63 : vector<16xi1>, vector<16xi32>
      %eq3A_68 = arith.cmpf oeq, %get3A_17, %max3A_48 : vector<16xf32>
      %jit3A_69 = arith.constant 2 : i32
      %broadcast_in_dim3A_70 = vector.broadcast %jit3A_69 : i32 to vector<16xi32>
      %select_n3A_71 = arith.select %eq3A_68, %broadcast_in_dim3A_70, %select_n3A_67 : vector<16xi1>, vector<16xi32>
      %eq3A_72 = arith.cmpf oeq, %get3A_12, %max3A_48 : vector<16xf32>
      %jit3A_73 = arith.constant 1 : i32
      %broadcast_in_dim3A_74 = vector.broadcast %jit3A_73 : i32 to vector<16xi32>
      %select_n3A_75 = arith.select %eq3A_72, %broadcast_in_dim3A_74, %select_n3A_71 : vector<16xi1>, vector<16xi32>
      %eq3A_76 = arith.cmpf oeq, %get3A_7, %max3A_48 : vector<16xf32>
      %jit3A_77 = arith.constant 0 : i32
      %broadcast_in_dim3A_78 = vector.broadcast %jit3A_77 : i32 to vector<16xi32>
      %select_n3A_79 = arith.select %eq3A_76, %broadcast_in_dim3A_78, %select_n3A_75 : vector<16xi1>, vector<16xi32>
      %broadcast_in_dim3A_80 = arith.constant 0xFF800000 : f32
      %broadcast_in_dim3A_81 = vector.broadcast %broadcast_in_dim3A_80 : f32 to vector<16xf32>
      %eq3A_82 = arith.constant 0 : i32
      %eq3A_83 = vector.broadcast %eq3A_82 : i32 to vector<16xi32>
      %eq3A_84 = arith.cmpi eq, %select_n3A_79, %eq3A_83 : vector<16xi32>
      %select_n3A_85 = arith.select %eq3A_84, %broadcast_in_dim3A_81, %get3A_7 : vector<16xi1>, vector<16xf32>
      %max3A_86 = arith.maximumf %broadcast_in_dim3A_81, %select_n3A_85 : vector<16xf32>
      %eq3A_87 = arith.constant 1 : i32
      %eq3A_88 = vector.broadcast %eq3A_87 : i32 to vector<16xi32>
      %eq3A_89 = arith.cmpi eq, %select_n3A_79, %eq3A_88 : vector<16xi32>
      %select_n3A_90 = arith.select %eq3A_89, %broadcast_in_dim3A_81, %get3A_12 : vector<16xi1>, vector<16xf32>
      %max3A_91 = arith.maximumf %max3A_86, %select_n3A_90 : vector<16xf32>
      %eq3A_92 = arith.constant 2 : i32
      %eq3A_93 = vector.broadcast %eq3A_92 : i32 to vector<16xi32>
      %eq3A_94 = arith.cmpi eq, %select_n3A_79, %eq3A_93 : vector<16xi32>
      %select_n3A_95 = arith.select %eq3A_94, %broadcast_in_dim3A_81, %get3A_17 : vector<16xi1>, vector<16xf32>
      %max3A_96 = arith.maximumf %max3A_91, %select_n3A_95 : vector<16xf32>
      %eq3A_97 = arith.constant 3 : i32
      %eq3A_98 = vector.broadcast %eq3A_97 : i32 to vector<16xi32>
      %eq3A_99 = arith.cmpi eq, %select_n3A_79, %eq3A_98 : vector<16xi32>
      %select_n3A_100 = arith.select %eq3A_99, %broadcast_in_dim3A_81, %get3A_22 : vector<16xi1>, vector<16xf32>
      %max3A_101 = arith.maximumf %max3A_96, %select_n3A_100 : vector<16xf32>
      %eq3A_102 = arith.constant 4 : i32
      %eq3A_103 = vector.broadcast %eq3A_102 : i32 to vector<16xi32>
      %eq3A_104 = arith.cmpi eq, %select_n3A_79, %eq3A_103 : vector<16xi32>
      %select_n3A_105 = arith.select %eq3A_104, %broadcast_in_dim3A_81, %get3A_27 : vector<16xi1>, vector<16xf32>
      %max3A_106 = arith.maximumf %max3A_101, %select_n3A_105 : vector<16xf32>
      %eq3A_107 = arith.constant 5 : i32
      %eq3A_108 = vector.broadcast %eq3A_107 : i32 to vector<16xi32>
      %eq3A_109 = arith.cmpi eq, %select_n3A_79, %eq3A_108 : vector<16xi32>
      %select_n3A_110 = arith.select %eq3A_109, %broadcast_in_dim3A_81, %get3A_32 : vector<16xi1>, vector<16xf32>
      %max3A_111 = arith.maximumf %max3A_106, %select_n3A_110 : vector<16xf32>
      %eq3A_112 = arith.constant 6 : i32
      %eq3A_113 = vector.broadcast %eq3A_112 : i32 to vector<16xi32>
      %eq3A_114 = arith.cmpi eq, %select_n3A_79, %eq3A_113 : vector<16xi32>
      %select_n3A_115 = arith.select %eq3A_114, %broadcast_in_dim3A_81, %get3A_37 : vector<16xi1>, vector<16xf32>
      %max3A_116 = arith.maximumf %max3A_111, %select_n3A_115 : vector<16xf32>
      %eq3A_117 = arith.constant 7 : i32
      %eq3A_118 = vector.broadcast %eq3A_117 : i32 to vector<16xi32>
      %eq3A_119 = arith.cmpi eq, %select_n3A_79, %eq3A_118 : vector<16xi32>
      %select_n3A_120 = arith.select %eq3A_119, %broadcast_in_dim3A_81, %get3A_42 : vector<16xi1>, vector<16xf32>
      %max3A_121 = arith.maximumf %max3A_116, %select_n3A_120 : vector<16xf32>
      %broadcast_in_dim3A_122 = arith.constant 8 : i32
      %broadcast_in_dim3A_123 = vector.broadcast %broadcast_in_dim3A_122 : i32 to vector<16xi32>
      %eq3A_124 = arith.constant 7 : i32
      %eq3A_125 = vector.broadcast %eq3A_124 : i32 to vector<16xi32>
      %eq3A_126 = arith.cmpi eq, %select_n3A_79, %eq3A_125 : vector<16xi32>
      %select_n3A_127 = arith.select %eq3A_126, %broadcast_in_dim3A_81, %get3A_42 : vector<16xi1>, vector<16xf32>
      %eq3A_128 = arith.cmpf oeq, %select_n3A_127, %max3A_121 : vector<16xf32>
      %jit3A_129 = arith.constant 7 : i32
      %broadcast_in_dim3A_130 = vector.broadcast %jit3A_129 : i32 to vector<16xi32>
      %select_n3A_131 = arith.select %eq3A_128, %broadcast_in_dim3A_130, %broadcast_in_dim3A_123 : vector<16xi1>, vector<16xi32>
      %eq3A_132 = arith.constant 6 : i32
      %eq3A_133 = vector.broadcast %eq3A_132 : i32 to vector<16xi32>
      %eq3A_134 = arith.cmpi eq, %select_n3A_79, %eq3A_133 : vector<16xi32>
      %select_n3A_135 = arith.select %eq3A_134, %broadcast_in_dim3A_81, %get3A_37 : vector<16xi1>, vector<16xf32>
      %eq3A_136 = arith.cmpf oeq, %select_n3A_135, %max3A_121 : vector<16xf32>
      %jit3A_137 = arith.constant 6 : i32
      %broadcast_in_dim3A_138 = vector.broadcast %jit3A_137 : i32 to vector<16xi32>
      %select_n3A_139 = arith.select %eq3A_136, %broadcast_in_dim3A_138, %select_n3A_131 : vector<16xi1>, vector<16xi32>
      %eq3A_140 = arith.constant 5 : i32
      %eq3A_141 = vector.broadcast %eq3A_140 : i32 to vector<16xi32>
      %eq3A_142 = arith.cmpi eq, %select_n3A_79, %eq3A_141 : vector<16xi32>
      %select_n3A_143 = arith.select %eq3A_142, %broadcast_in_dim3A_81, %get3A_32 : vector<16xi1>, vector<16xf32>
      %eq3A_144 = arith.cmpf oeq, %select_n3A_143, %max3A_121 : vector<16xf32>
      %jit3A_145 = arith.constant 5 : i32
      %broadcast_in_dim3A_146 = vector.broadcast %jit3A_145 : i32 to vector<16xi32>
      %select_n3A_147 = arith.select %eq3A_144, %broadcast_in_dim3A_146, %select_n3A_139 : vector<16xi1>, vector<16xi32>
      %eq3A_148 = arith.constant 4 : i32
      %eq3A_149 = vector.broadcast %eq3A_148 : i32 to vector<16xi32>
      %eq3A_150 = arith.cmpi eq, %select_n3A_79, %eq3A_149 : vector<16xi32>
      %select_n3A_151 = arith.select %eq3A_150, %broadcast_in_dim3A_81, %get3A_27 : vector<16xi1>, vector<16xf32>
      %eq3A_152 = arith.cmpf oeq, %select_n3A_151, %max3A_121 : vector<16xf32>
      %jit3A_153 = arith.constant 4 : i32
      %broadcast_in_dim3A_154 = vector.broadcast %jit3A_153 : i32 to vector<16xi32>
      %select_n3A_155 = arith.select %eq3A_152, %broadcast_in_dim3A_154, %select_n3A_147 : vector<16xi1>, vector<16xi32>
      %eq3A_156 = arith.constant 3 : i32
      %eq3A_157 = vector.broadcast %eq3A_156 : i32 to vector<16xi32>
      %eq3A_158 = arith.cmpi eq, %select_n3A_79, %eq3A_157 : vector<16xi32>
      %select_n3A_159 = arith.select %eq3A_158, %broadcast_in_dim3A_81, %get3A_22 : vector<16xi1>, vector<16xf32>
      %eq3A_160 = arith.cmpf oeq, %select_n3A_159, %max3A_121 : vector<16xf32>
      %jit3A_161 = arith.constant 3 : i32
      %broadcast_in_dim3A_162 = vector.broadcast %jit3A_161 : i32 to vector<16xi32>
      %select_n3A_163 = arith.select %eq3A_160, %broadcast_in_dim3A_162, %select_n3A_155 : vector<16xi1>, vector<16xi32>
      %eq3A_164 = arith.constant 2 : i32
      %eq3A_165 = vector.broadcast %eq3A_164 : i32 to vector<16xi32>
      %eq3A_166 = arith.cmpi eq, %select_n3A_79, %eq3A_165 : vector<16xi32>
      %select_n3A_167 = arith.select %eq3A_166, %broadcast_in_dim3A_81, %get3A_17 : vector<16xi1>, vector<16xf32>
      %eq3A_168 = arith.cmpf oeq, %select_n3A_167, %max3A_121 : vector<16xf32>
      %jit3A_169 = arith.constant 2 : i32
      %broadcast_in_dim3A_170 = vector.broadcast %jit3A_169 : i32 to vector<16xi32>
      %select_n3A_171 = arith.select %eq3A_168, %broadcast_in_dim3A_170, %select_n3A_163 : vector<16xi1>, vector<16xi32>
      %eq3A_172 = arith.constant 1 : i32
      %eq3A_173 = vector.broadcast %eq3A_172 : i32 to vector<16xi32>
      %eq3A_174 = arith.cmpi eq, %select_n3A_79, %eq3A_173 : vector<16xi32>
      %select_n3A_175 = arith.select %eq3A_174, %broadcast_in_dim3A_81, %get3A_12 : vector<16xi1>, vector<16xf32>
      %eq3A_176 = arith.cmpf oeq, %select_n3A_175, %max3A_121 : vector<16xf32>
      %jit3A_177 = arith.constant 1 : i32
      %broadcast_in_dim3A_178 = vector.broadcast %jit3A_177 : i32 to vector<16xi32>
      %select_n3A_179 = arith.select %eq3A_176, %broadcast_in_dim3A_178, %select_n3A_171 : vector<16xi1>, vector<16xi32>
      %eq3A_180 = arith.constant 0 : i32
      %eq3A_181 = vector.broadcast %eq3A_180 : i32 to vector<16xi32>
      %eq3A_182 = arith.cmpi eq, %select_n3A_79, %eq3A_181 : vector<16xi32>
      %select_n3A_183 = arith.select %eq3A_182, %broadcast_in_dim3A_81, %get3A_7 : vector<16xi1>, vector<16xf32>
      %eq3A_184 = arith.cmpf oeq, %select_n3A_183, %max3A_121 : vector<16xf32>
      %jit3A_185 = arith.constant 0 : i32
      %broadcast_in_dim3A_186 = vector.broadcast %jit3A_185 : i32 to vector<16xi32>
      %select_n3A_187 = arith.select %eq3A_184, %broadcast_in_dim3A_186, %select_n3A_179 : vector<16xi1>, vector<16xi32>
      %sub3A = arith.subf %max3A_121, %max3A_48 : vector<16xf32>
      %exp3A = math.exp %sub3A : vector<16xf32>
      %add3A = arith.constant 1.000000e+00 : f32
      %add3A_188 = vector.broadcast %add3A : f32 to vector<16xf32>
      %add3A_189 = arith.addf %add3A_188, %exp3A : vector<16xf32>
      %div3A = arith.constant 1.000000e+00 : f32
      %div3A_190 = vector.broadcast %div3A : f32 to vector<16xf32>
      %div3A_191 = arith.divf %div3A_190, %add3A_189 : vector<16xf32>
      %div3A_192 = arith.divf %exp3A, %add3A_189 : vector<16xf32>
      %broadcast_in_dim3A_193 = arith.constant 0.000000e+00 : f32
      %broadcast_in_dim3A_194 = vector.broadcast %broadcast_in_dim3A_193 : f32 to vector<16xf32>
      %eq3A_195 = arith.constant 0 : i32
      %eq3A_196 = vector.broadcast %eq3A_195 : i32 to vector<16xi32>
      %eq3A_197 = arith.cmpi eq, %select_n3A_79, %eq3A_196 : vector<16xi32>
      %select_n3A_198 = arith.select %eq3A_197, %div3A_191, %broadcast_in_dim3A_194 : vector<16xi1>, vector<16xf32>
      %eq3A_199 = arith.constant 0 : i32
      %eq3A_200 = vector.broadcast %eq3A_199 : i32 to vector<16xi32>
      %eq3A_201 = arith.cmpi eq, %select_n3A_187, %eq3A_200 : vector<16xi32>
      %select_n3A_202 = arith.select %eq3A_201, %div3A_192, %broadcast_in_dim3A_194 : vector<16xi1>, vector<16xf32>
      %add3A_203 = arith.addf %select_n3A_198, %select_n3A_202 : vector<16xf32>
      %swap3A = arith.constant 0 : i32
      %swap3A_204 = arith.index_cast %swap3A : i32 to index
      %swap3A_205 = arith.constant 0 : index
      %swap3A_206 = tpu.vector_load %arg5[%swap3A_204, %swap3A_205] {strides = array<i32>} : memref<8x16xf32, #tpu.memory_space<vmem>>, vector<1x16xf32>,
      %swap3A_207 = vector.shape_cast %swap3A_206 : vector<1x16xf32> to vector<16xf32>
      %swap3A_208 = vector.shape_cast %add3A_203 : vector<16xf32> to vector<1x16xf32>
      tpu.vector_store %arg5[%swap3A_204, %swap3A_205], %swap3A_208 {strides = array<i32>} : memref<8x16xf32, #tpu.memory_space<vmem>>, vector<1x16xf32>,
      %eq3A_209 = arith.constant 1 : i32
      %eq3A_210 = vector.broadcast %eq3A_209 : i32 to vector<16xi32>
      %eq3A_211 = arith.cmpi eq, %select_n3A_79, %eq3A_210 : vector<16xi32>
      %select_n3A_212 = arith.select %eq3A_211, %div3A_191, %broadcast_in_dim3A_194 : vector<16xi1>, vector<16xf32>
      %eq3A_213 = arith.constant 1 : i32
      %eq3A_214 = vector.broadcast %eq3A_213 : i32 to vector<16xi32>
      %eq3A_215 = arith.cmpi eq, %select_n3A_187, %eq3A_214 : vector<16xi32>
      %select_n3A_216 = arith.select %eq3A_215, %div3A_192, %broadcast_in_dim3A_194 : vector<16xi1>, vector<16xf32>
      %add3A_217 = arith.addf %select_n3A_212, %select_n3A_216 : vector<16xf32>
      %swap3A_218 = arith.constant 1 : i32
      %swap3A_219 = arith.index_cast %swap3A_218 : i32 to index
      %swap3A_220 = arith.constant 0 : index
      %swap3A_221 = tpu.vector_load %arg5[%swap3A_219, %swap3A_220] {strides = array<i32>} : memref<8x16xf32, #tpu.memory_space<vmem>>, vector<1x16xf32>,
      %swap3A_222 = vector.shape_cast %swap3A_221 : vector<1x16xf32> to vector<16xf32>
      %swap3A_223 = vector.shape_cast %add3A_217 : vector<16xf32> to vector<1x16xf32>
      tpu.vector_store %arg5[%swap3A_219, %swap3A_220], %swap3A_223 {strides = array<i32>} : memref<8x16xf32, #tpu.memory_space<vmem>>, vector<1x16xf32>,
      %eq3A_224 = arith.constant 2 : i32
      %eq3A_225 = vector.broadcast %eq3A_224 : i32 to vector<16xi32>
      %eq3A_226 = arith.cmpi eq, %select_n3A_79, %eq3A_225 : vector<16xi32>
      %select_n3A_227 = arith.select %eq3A_226, %div3A_191, %broadcast_in_dim3A_194 : vector<16xi1>, vector<16xf32>
      %eq3A_228 = arith.constant 2 : i32
      %eq3A_229 = vector.broadcast %eq3A_228 : i32 to vector<16xi32>
      %eq3A_230 = arith.cmpi eq, %select_n3A_187, %eq3A_229 : vector<16xi32>
      %select_n3A_231 = arith.select %eq3A_230, %div3A_192, %broadcast_in_dim3A_194 : vector<16xi1>, vector<16xf32>
      %add3A_232 = arith.addf %select_n3A_227, %select_n3A_231 : vector<16xf32>
      %swap3A_233 = arith.constant 2 : i32
      %swap3A_234 = arith.index_cast %swap3A_233 : i32 to index
      %swap3A_235 = arith.constant 0 : index
      %swap3A_236 = tpu.vector_load %arg5[%swap3A_234, %swap3A_235] {strides = array<i32>} : memref<8x16xf32, #tpu.memory_space<vmem>>, vector<1x16xf32>,
      %swap3A_237 = vector.shape_cast %swap3A_236 : vector<1x16xf32> to vector<16xf32>
      %swap3A_238 = vector.shape_cast %add3A_232 : vector<16xf32> to vector<1x16xf32>
      tpu.vector_store %arg5[%swap3A_234, %swap3A_235], %swap3A_238 {strides = array<i32>} : memref<8x16xf32, #tpu.memory_space<vmem>>, vector<1x16xf32>,
      %eq3A_239 = arith.constant 3 : i32
      %eq3A_240 = vector.broadcast %eq3A_239 : i32 to vector<16xi32>
      %eq3A_241 = arith.cmpi eq, %select_n3A_79, %eq3A_240 : vector<16xi32>
      %select_n3A_242 = arith.select %eq3A_241, %div3A_191, %broadcast_in_dim3A_194 : vector<16xi1>, vector<16xf32>
      %eq3A_243 = arith.constant 3 : i32
      %eq3A_244 = vector.broadcast %eq3A_243 : i32 to vector<16xi32>
      %eq3A_245 = arith.cmpi eq, %select_n3A_187, %eq3A_244 : vector<16xi32>
      %select_n3A_246 = arith.select %eq3A_245, %div3A_192, %broadcast_in_dim3A_194 : vector<16xi1>, vector<16xf32>
      %add3A_247 = arith.addf %select_n3A_242, %select_n3A_246 : vector<16xf32>
      %swap3A_248 = arith.constant 3 : i32
      %swap3A_249 = arith.index_cast %swap3A_248 : i32 to index
      %swap3A_250 = arith.constant 0 : index
      %swap3A_251 = tpu.vector_load %arg5[%swap3A_249, %swap3A_250] {strides = array<i32>} : memref<8x16xf32, #tpu.memory_space<vmem>>, vector<1x16xf32>,
      %swap3A_252 = vector.shape_cast %swap3A_251 : vector<1x16xf32> to vector<16xf32>
      %swap3A_253 = vector.shape_cast %add3A_247 : vector<16xf32> to vector<1x16xf32>
      tpu.vector_store %arg5[%swap3A_249, %swap3A_250], %swap3A_253 {strides = array<i32>} : memref<8x16xf32, #tpu.memory_space<vmem>>, vector<1x16xf32>,
      %eq3A_254 = arith.constant 4 : i32
      %eq3A_255 = vector.broadcast %eq3A_254 : i32 to vector<16xi32>
      %eq3A_256 = arith.cmpi eq, %select_n3A_79, %eq3A_255 : vector<16xi32>
      %select_n3A_257 = arith.select %eq3A_256, %div3A_191, %broadcast_in_dim3A_194 : vector<16xi1>, vector<16xf32>
      %eq3A_258 = arith.constant 4 : i32
      %eq3A_259 = vector.broadcast %eq3A_258 : i32 to vector<16xi32>
      %eq3A_260 = arith.cmpi eq, %select_n3A_187, %eq3A_259 : vector<16xi32>
      %select_n3A_261 = arith.select %eq3A_260, %div3A_192, %broadcast_in_dim3A_194 : vector<16xi1>, vector<16xf32>
      %add3A_262 = arith.addf %select_n3A_257, %select_n3A_261 : vector<16xf32>
      %swap3A_263 = arith.constant 4 : i32
      %swap3A_264 = arith.index_cast %swap3A_263 : i32 to index
      %swap3A_265 = arith.constant 0 : index
      %swap3A_266 = tpu.vector_load %arg5[%swap3A_264, %swap3A_265] {strides = array<i32>} : memref<8x16xf32, #tpu.memory_space<vmem>>, vector<1x16xf32>,
      %swap3A_267 = vector.shape_cast %swap3A_266 : vector<1x16xf32> to vector<16xf32>
      %swap3A_268 = vector.shape_cast %add3A_262 : vector<16xf32> to vector<1x16xf32>
      tpu.vector_store %arg5[%swap3A_264, %swap3A_265], %swap3A_268 {strides = array<i32>} : memref<8x16xf32, #tpu.memory_space<vmem>>, vector<1x16xf32>,
      %eq3A_269 = arith.constant 5 : i32
      %eq3A_270 = vector.broadcast %eq3A_269 : i32 to vector<16xi32>
      %eq3A_271 = arith.cmpi eq, %select_n3A_79, %eq3A_270 : vector<16xi32>
      %select_n3A_272 = arith.select %eq3A_271, %div3A_191, %broadcast_in_dim3A_194 : vector<16xi1>, vector<16xf32>
      %eq3A_273 = arith.constant 5 : i32
      %eq3A_274 = vector.broadcast %eq3A_273 : i32 to vector<16xi32>
      %eq3A_275 = arith.cmpi eq, %select_n3A_187, %eq3A_274 : vector<16xi32>
      %select_n3A_276 = arith.select %eq3A_275, %div3A_192, %broadcast_in_dim3A_194 : vector<16xi1>, vector<16xf32>
      %add3A_277 = arith.addf %select_n3A_272, %select_n3A_276 : vector<16xf32>
      %swap3A_278 = arith.constant 5 : i32
      %swap3A_279 = arith.index_cast %swap3A_278 : i32 to index
      %swap3A_280 = arith.constant 0 : index
      %swap3A_281 = tpu.vector_load %arg5[%swap3A_279, %swap3A_280] {strides = array<i32>} : memref<8x16xf32, #tpu.memory_space<vmem>>, vector<1x16xf32>,
      %swap3A_282 = vector.shape_cast %swap3A_281 : vector<1x16xf32> to vector<16xf32>
      %swap3A_283 = vector.shape_cast %add3A_277 : vector<16xf32> to vector<1x16xf32>
      tpu.vector_store %arg5[%swap3A_279, %swap3A_280], %swap3A_283 {strides = array<i32>} : memref<8x16xf32, #tpu.memory_space<vmem>>, vector<1x16xf32>,
      %eq3A_284 = arith.constant 6 : i32
      %eq3A_285 = vector.broadcast %eq3A_284 : i32 to vector<16xi32>
      %eq3A_286 = arith.cmpi eq, %select_n3A_79, %eq3A_285 : vector<16xi32>
      %select_n3A_287 = arith.select %eq3A_286, %div3A_191, %broadcast_in_dim3A_194 : vector<16xi1>, vector<16xf32>
      %eq3A_288 = arith.constant 6 : i32
      %eq3A_289 = vector.broadcast %eq3A_288 : i32 to vector<16xi32>
      %eq3A_290 = arith.cmpi eq, %select_n3A_187, %eq3A_289 : vector<16xi32>
      %select_n3A_291 = arith.select %eq3A_290, %div3A_192, %broadcast_in_dim3A_194 : vector<16xi1>, vector<16xf32>
      %add3A_292 = arith.addf %select_n3A_287, %select_n3A_291 : vector<16xf32>
      %swap3A_293 = arith.constant 6 : i32
      %swap3A_294 = arith.index_cast %swap3A_293 : i32 to index
      %swap3A_295 = arith.constant 0 : index
      %swap3A_296 = tpu.vector_load %arg5[%swap3A_294, %swap3A_295] {strides = array<i32>} : memref<8x16xf32, #tpu.memory_space<vmem>>, vector<1x16xf32>,
      %swap3A_297 = vector.shape_cast %swap3A_296 : vector<1x16xf32> to vector<16xf32>
      %swap3A_298 = vector.shape_cast %add3A_292 : vector<16xf32> to vector<1x16xf32>
      tpu.vector_store %arg5[%swap3A_294, %swap3A_295], %swap3A_298 {strides = array<i32>} : memref<8x16xf32, #tpu.memory_space<vmem>>, vector<1x16xf32>,
      %eq3A_299 = arith.constant 7 : i32
      %eq3A_300 = vector.broadcast %eq3A_299 : i32 to vector<16xi32>
      %eq3A_301 = arith.cmpi eq, %select_n3A_79, %eq3A_300 : vector<16xi32>
      %select_n3A_302 = arith.select %eq3A_301, %div3A_191, %broadcast_in_dim3A_194 : vector<16xi1>, vector<16xf32>
      %eq3A_303 = arith.constant 7 : i32
      %eq3A_304 = vector.broadcast %eq3A_303 : i32 to vector<16xi32>
      %eq3A_305 = arith.cmpi eq, %select_n3A_187, %eq3A_304 : vector<16xi32>
      %select_n3A_306 = arith.select %eq3A_305, %div3A_192, %broadcast_in_dim3A_194 : vector<16xi1>, vector<16xf32>
      %add3A_307 = arith.addf %select_n3A_302, %select_n3A_306 : vector<16xf32>
      %swap3A_308 = arith.constant 7 : i32
      %swap3A_309 = arith.index_cast %swap3A_308 : i32 to index
      %swap3A_310 = arith.constant 0 : index
      %swap3A_311 = tpu.vector_load %arg5[%swap3A_309, %swap3A_310] {strides = array<i32>} : memref<8x16xf32, #tpu.memory_space<vmem>>, vector<1x16xf32>,
      %swap3A_312 = vector.shape_cast %swap3A_311 : vector<1x16xf32> to vector<16xf32>
      %swap3A_313 = vector.shape_cast %add3A_307 : vector<16xf32> to vector<1x16xf32>
      tpu.vector_store %arg5[%swap3A_309, %swap3A_310], %swap3A_313 {strides = array<i32>} : memref<8x16xf32, #tpu.memory_space<vmem>>, vector<1x16xf32>,
      "tpu.region"() ({
        %run_scoped3A = tpu.sem_alloc : memref<!tpu.dma_semaphore, #tpu.memory_space<semaphore_mem>>
        tpu.enqueue_dma source(%arg5 : memref<8x16xf32, #tpu.memory_space<vmem>>) target(%arg3 : memref<8x16xf32, #tpu.memory_space<hbm>>) target_semaphore(%run_scoped3A : memref<!tpu.dma_semaphore, #tpu.memory_space<semaphore_mem>>)
        tpu.wait_dma2 semaphore(%run_scoped3A : memref<!tpu.dma_semaphore, #tpu.memory_space<semaphore_mem>>) src(%arg5 : memref<8x16xf32, #tpu.memory_space<vmem>>) dst(%arg3 : memref<8x16xf32, #tpu.memory_space<hbm>>)
        tpu.yield
      }) : () -> ()
    } else {
    }
    return
  }
}

module attributes {stable_mosaic.version = 14 : i64} {
  func.func @_pre_body(%arg0: i32, %arg1: memref<16x2048xf32, #tpu.memory_space<vmem>>, %arg2: memref<1x2048xf32, #tpu.memory_space<vmem>>, %arg3: memref<4x64x2048xf32, #tpu.memory_space<vmem>>, %arg4: memref<256x2048xf32, #tpu.memory_space<vmem>>, %arg5: memref<256x2048xf32, #tpu.memory_space<vmem>>, %arg6: memref<16x256xf32, #tpu.memory_space<vmem>>, %arg7: memref<16x256xf32, #tpu.memory_space<vmem>>, %arg8: memref<16x256xf32, #tpu.memory_space<vmem>>) attributes {dimension_semantics = [#tpu.dimension_semantics<arbitrary>], iteration_bounds = array<i64: 4>, scalar_prefetch = 0 : i64, scratch_operands = 0 : i64, tpu.core_type = #tpu.core_type<tc>, window_params = [{pipeline_mode = #tpu.pipeline_mode<synchronous>, transform_indices = @transform_0, window_bounds = array<i64: 16, 2048>}, {pipeline_mode = #tpu.pipeline_mode<synchronous>, transform_indices = @transform_1, window_bounds = array<i64: 1, 2048>}, {transform_indices = @transform_2, window_bounds = array<i64: 4, 64, 2048>}, {transform_indices = @transform_3, window_bounds = array<i64: 256, 2048>}, {transform_indices = @transform_4, window_bounds = array<i64: 256, 2048>}, {transform_indices = @transform_5, window_bounds = array<i64: 16, 256>}, {transform_indices = @transform_6, window_bounds = array<i64: 16, 256>}, {transform_indices = @transform_7, window_bounds = array<i64: 16, 256>}]} {
    %get3A = arith.constant 0 : index
    %get3A_0 = arith.constant 0 : index
    %get3A_1 = vector.load %arg1[%get3A, %get3A_0] : memref<16x2048xf32, #tpu.memory_space<vmem>>, vector<16x2048xf32>
    %get3A_2 = arith.constant 0 : index
    %get3A_3 = arith.constant 0 : index
    %get3A_4 = vector.load %arg2[%get3A_2, %get3A_3] : memref<1x2048xf32, #tpu.memory_space<vmem>>, vector<1x2048xf32>
    %mul3A = arith.mulf %get3A_1, %get3A_1 : vector<16x2048xf32>
    %reduce_sum3A = arith.constant dense<0.000000e+00> : vector<16xf32>
    %reduce_sum3A_5 = vector.multi_reduction <add>, %mul3A, %reduce_sum3A [1] : vector<16x2048xf32> to vector<16xf32>
    %broadcast_in_dim3A = vector.shape_cast %reduce_sum3A_5 : vector<16xf32> to vector<16x1xf32>
    %div3A = arith.constant 2.048000e+03 : f32
    %div3A_6 = vector.broadcast %div3A : f32 to vector<16x1xf32>
    %div3A_7 = arith.divf %broadcast_in_dim3A, %div3A_6 : vector<16x1xf32>
    %add3A = arith.constant 9.99999997E-7 : f32
    %add3A_8 = vector.broadcast %add3A : f32 to vector<16x1xf32>
    %add3A_9 = arith.addf %div3A_7, %add3A_8 : vector<16x1xf32>
    %rsqrt3A = math.rsqrt %add3A_9 : vector<16x1xf32>
    %mul3A_10 = vector.broadcast %rsqrt3A : vector<16x1xf32> to vector<16x2048xf32>
    %mul3A_11 = arith.mulf %get3A_1, %mul3A_10 : vector<16x2048xf32>
    %mul3A_12 = vector.broadcast %get3A_4 : vector<1x2048xf32> to vector<16x2048xf32>
    %mul3A_13 = arith.mulf %mul3A_11, %mul3A_12 : vector<16x2048xf32>
    %get3A_14 = arith.constant 0 : index
    %get3A_15 = arith.constant 0 : index
    %get3A_16 = arith.constant 0 : index
    %get3A_17 = vector.load %arg3[%get3A_14, %get3A_15, %get3A_16] : memref<4x64x2048xf32, #tpu.memory_space<vmem>>, vector<4x64x2048xf32>
    %reshape3A = vector.shape_cast %get3A_17 : vector<4x64x2048xf32> to vector<256x2048xf32>
    %dot_general3A = arith.constant dense<0.000000e+00> : vector<16x256xf32>
    %dot_general3A_18 = tpu.matmul %mul3A_13, %reshape3A, %dot_general3A {dimension_numbers = #tpu.dot_dimension_numbers<[1], [1], [0], [0], [0, 0, 1, 0], [], []>, transpose_lhs_hint = false} : vector<16x2048xf32>, vector<256x2048xf32>, vector<16x256xf32> -> vector<16x256xf32>
    %mul3A_19 = arith.constant 0.102062076 : f32
    %mul3A_20 = vector.broadcast %mul3A_19 : f32 to vector<16x256xf32>
    %mul3A_21 = arith.mulf %dot_general3A_18, %mul3A_20 : vector<16x256xf32>
    %swap3A = arith.constant 0 : index
    %swap3A_22 = arith.constant 0 : index
    %swap3A_23 = vector.load %arg6[%swap3A, %swap3A_22] : memref<16x256xf32, #tpu.memory_space<vmem>>, vector<16x256xf32>
    tpu.vector_store %arg6[%swap3A, %swap3A_22], %mul3A_21 {strides = array<i32>} : memref<16x256xf32, #tpu.memory_space<vmem>>, vector<16x256xf32>,
    %get3A_24 = arith.constant 0 : index
    %get3A_25 = arith.constant 0 : index
    %get3A_26 = vector.load %arg4[%get3A_24, %get3A_25] : memref<256x2048xf32, #tpu.memory_space<vmem>>, vector<256x2048xf32>
    %dot_general3A_27 = arith.constant dense<0.000000e+00> : vector<16x256xf32>
    %dot_general3A_28 = tpu.matmul %mul3A_13, %get3A_26, %dot_general3A_27 {dimension_numbers = #tpu.dot_dimension_numbers<[1], [1], [0], [0], [0, 0, 1, 0], [], []>, transpose_lhs_hint = false} : vector<16x2048xf32>, vector<256x2048xf32>, vector<16x256xf32> -> vector<16x256xf32>
    %swap3A_29 = arith.constant 0 : index
    %swap3A_30 = arith.constant 0 : index
    %swap3A_31 = vector.load %arg7[%swap3A_29, %swap3A_30] : memref<16x256xf32, #tpu.memory_space<vmem>>, vector<16x256xf32>
    tpu.vector_store %arg7[%swap3A_29, %swap3A_30], %dot_general3A_28 {strides = array<i32>} : memref<16x256xf32, #tpu.memory_space<vmem>>, vector<16x256xf32>,
    %get3A_32 = arith.constant 0 : index
    %get3A_33 = arith.constant 0 : index
    %get3A_34 = vector.load %arg5[%get3A_32, %get3A_33] : memref<256x2048xf32, #tpu.memory_space<vmem>>, vector<256x2048xf32>
    %dot_general3A_35 = arith.constant dense<0.000000e+00> : vector<16x256xf32>
    %dot_general3A_36 = tpu.matmul %mul3A_13, %get3A_34, %dot_general3A_35 {dimension_numbers = #tpu.dot_dimension_numbers<[1], [1], [0], [0], [0, 0, 1, 0], [], []>, transpose_lhs_hint = false} : vector<16x2048xf32>, vector<256x2048xf32>, vector<16x256xf32> -> vector<16x256xf32>
    %swap3A_37 = arith.constant 0 : index
    %swap3A_38 = arith.constant 0 : index
    %swap3A_39 = vector.load %arg8[%swap3A_37, %swap3A_38] : memref<16x256xf32, #tpu.memory_space<vmem>>, vector<16x256xf32>
    tpu.vector_store %arg8[%swap3A_37, %swap3A_38], %dot_general3A_36 {strides = array<i32>} : memref<16x256xf32, #tpu.memory_space<vmem>>, vector<16x256xf32>,
    return
  }
  func.func @transform_0(%arg0: i32) -> (i32, i32) {
    %c0_i32 = arith.constant 0 : i32
    %c0_i32_0 = arith.constant 0 : i32
    %c0_i32_1 = arith.constant 0 : i32
    return %c0_i32, %c0_i32_0 : i32, i32
  }
  func.func @transform_1(%arg0: i32) -> (i32, i32) {
    %c0_i32 = arith.constant 0 : i32
    %c0_i32_0 = arith.constant 0 : i32
    %c0_i32_1 = arith.constant 0 : i32
    return %c0_i32, %c0_i32_0 : i32, i32
  }
  func.func @transform_2(%arg0: i32) -> (i32, i32, i32) {
    %c0_i32 = arith.constant 0 : i32
    %c0_i32_0 = arith.constant 0 : i32
    %c0_i32_1 = arith.constant 0 : i32
    return %arg0, %c0_i32, %c0_i32_0 : i32, i32, i32
  }
  func.func @transform_3(%arg0: i32) -> (i32, i32) {
    %c0_i32 = arith.constant 0 : i32
    %c0_i32_0 = arith.constant 0 : i32
    return %arg0, %c0_i32 : i32, i32
  }
  func.func @transform_4(%arg0: i32) -> (i32, i32) {
    %add3A = arith.constant 4 : i32
    %add3A_0 = arith.addi %add3A, %arg0 : i32
    %c0_i32 = arith.constant 0 : i32
    %c0_i32_1 = arith.constant 0 : i32
    return %add3A_0, %c0_i32 : i32, i32
  }
  func.func @transform_5(%arg0: i32) -> (i32, i32) {
    %c0_i32 = arith.constant 0 : i32
    %c0_i32_0 = arith.constant 0 : i32
    return %c0_i32, %arg0 : i32, i32
  }
  func.func @transform_6(%arg0: i32) -> (i32, i32) {
    %c0_i32 = arith.constant 0 : i32
    %c0_i32_0 = arith.constant 0 : i32
    return %c0_i32, %arg0 : i32, i32
  }
  func.func @transform_7(%arg0: i32) -> (i32, i32) {
    %c0_i32 = arith.constant 0 : i32
    %c0_i32_0 = arith.constant 0 : i32
    return %c0_i32, %arg0 : i32, i32
  }
}

module attributes {stable_mosaic.version = 14 : i64} {
  func.func @_attn_body(%arg0: i32, %arg1: i32, %arg2: memref<16xi32, #tpu.memory_space<smem>>, %arg3: memref<1x16x64xf32, #tpu.memory_space<vmem>>, %arg4: memref<1x16x64xf32, #tpu.memory_space<vmem>>, %arg5: memref<1x16x64xf32, #tpu.memory_space<vmem>>, %arg6: memref<1x1x4096x64xf32, #tpu.memory_space<vmem>>, %arg7: memref<1x1x4096x64xf32, #tpu.memory_space<vmem>>, %arg8: memref<1x16x64xf32, #tpu.memory_space<vmem>>, %arg9: memref<16x64xf32, #tpu.memory_space<vmem>>, %arg10: memref<16x64xf32, #tpu.memory_space<vmem>>, %arg11: memref<16x1xf32, #tpu.memory_space<vmem>>, %arg12: memref<16x1xf32, #tpu.memory_space<vmem>>) attributes {dimension_semantics = [#tpu.dimension_semantics<arbitrary>, #tpu.dimension_semantics<arbitrary>], iteration_bounds = array<i64: 16, 8>, scalar_prefetch = 1 : i64, scratch_operands = 4 : i64, tpu.core_type = #tpu.core_type<tc>, window_params = [{transform_indices = @transform_0, window_bounds = array<i64: 1, 16, 64>}, {transform_indices = @transform_1, window_bounds = array<i64: 1, 16, 64>}, {transform_indices = @transform_2, window_bounds = array<i64: 1, 16, 64>}, {transform_indices = @transform_3, window_bounds = array<i64: 1, 1, 4096, 64>}, {transform_indices = @transform_4, window_bounds = array<i64: 1, 1, 4096, 64>}, {transform_indices = @transform_5, window_bounds = array<i64: 1, 16, 64>}]} {
    %get3A = arith.index_cast %arg0 : i32 to index
    %get3A_0 = memref.load %arg2[%get3A] : memref<16xi32, #tpu.memory_space<smem>>
    %sub3A = arith.constant 1 : i32
    %sub3A_1 = arith.subi %get3A_0, %sub3A : i32
    %add3A = arith.constant 256 : i32
    %add3A_2 = arith.addi %sub3A_1, %add3A : i32
    %sub3A_3 = arith.constant 1 : i32
    %sub3A_4 = arith.subi %add3A_2, %sub3A_3 : i32
    %jit3A = arith.constant 256 : i32
    %div3A = arith.divsi %sub3A_4, %jit3A : i32
    %sign3A = arith.constant 0 : i32
    %sign3A_5 = arith.cmpi sgt, %sub3A_4, %sign3A : i32
    %sign3A_6 = arith.extui %sign3A_5 : i1 to i32
    %sign3A_7 = arith.constant 0 : i32
    %sign3A_8 = arith.cmpi slt, %sub3A_4, %sign3A_7 : i32
    %sign3A_9 = arith.extui %sign3A_8 : i1 to i32
    %sign3A_10 = arith.subi %sign3A_6, %sign3A_9 : i32
    %sign3A_11 = arith.constant 0 : i32
    %sign3A_12 = arith.cmpi sgt, %jit3A, %sign3A_11 : i32
    %sign3A_13 = arith.extui %sign3A_12 : i1 to i32
    %sign3A_14 = arith.constant 0 : i32
    %sign3A_15 = arith.cmpi slt, %jit3A, %sign3A_14 : i32
    %sign3A_16 = arith.extui %sign3A_15 : i1 to i32
    %sign3A_17 = arith.subi %sign3A_13, %sign3A_16 : i32
    %ne3A = arith.cmpi ne, %sign3A_10, %sign3A_17 : i32
    %rem3A = arith.remsi %sub3A_4, %jit3A : i32
    %ne3A_18 = arith.constant 0 : i32
    %ne3A_19 = arith.cmpi ne, %rem3A, %ne3A_18 : i32
    %and3A = arith.andi %ne3A, %ne3A_19 : i1
    %sub3A_20 = arith.constant 1 : i32
    %sub3A_21 = arith.subi %div3A, %sub3A_20 : i32
    %select_n3A = arith.select %and3A, %sub3A_21, %div3A : i32
    %eq3A = arith.constant 0 : i32
    %eq3A_22 = arith.cmpi eq, %arg1, %eq3A : i32
    %convert_element_type3A = arith.extui %eq3A_22 : i1 to i32
    %cond3A = arith.constant 0 : i32
    %cond3A_23 = arith.cmpi ne, %convert_element_type3A, %cond3A : i32
    scf.if %cond3A_23 {
      %get3A_32 = arith.constant 0 : index
      %get3A_33 = arith.constant 0 : index
      %get3A_34 = arith.constant 0 : index
      %get3A_35 = vector.load %arg3[%get3A_32, %get3A_33, %get3A_34] : memref<1x16x64xf32, #tpu.memory_space<vmem>>, vector<1x16x64xf32>
      %reshape3A = vector.shape_cast %get3A_35 : vector<1x16x64xf32> to vector<16x64xf32>
      %swap3A = arith.constant 0 : index
      %swap3A_36 = arith.constant 0 : index
      %swap3A_37 = vector.load %arg9[%swap3A, %swap3A_36] : memref<16x64xf32, #tpu.memory_space<vmem>>, vector<16x64xf32>
      tpu.vector_store %arg9[%swap3A, %swap3A_36], %reshape3A {strides = array<i32>} : memref<16x64xf32, #tpu.memory_space<vmem>>, vector<16x64xf32>,
      %get3A_38 = arith.constant 0 : index
      %get3A_39 = arith.constant 0 : index
      %get3A_40 = arith.constant 0 : index
      %get3A_41 = vector.load %arg4[%get3A_38, %get3A_39, %get3A_40] : memref<1x16x64xf32, #tpu.memory_space<vmem>>, vector<1x16x64xf32>
      %reshape3A_42 = vector.shape_cast %get3A_41 : vector<1x16x64xf32> to vector<16x64xf32>
      %mul3A = arith.mulf %reshape3A, %reshape3A_42 : vector<16x64xf32>
      %reduce_sum3A = arith.constant dense<0.000000e+00> : vector<16xf32>
      %reduce_sum3A_43 = vector.multi_reduction <add>, %mul3A, %reduce_sum3A [1] : vector<16x64xf32> to vector<16xf32>
      %broadcast_in_dim3A = vector.shape_cast %reduce_sum3A_43 : vector<16xf32> to vector<16x1xf32>
      %swap3A_44 = arith.constant 0 : index
      %swap3A_45 = arith.constant 0 : index
      %swap3A_46 = vector.load %arg11[%swap3A_44, %swap3A_45] : memref<16x1xf32, #tpu.memory_space<vmem>>, vector<16x1xf32>
      tpu.vector_store %arg11[%swap3A_44, %swap3A_45], %broadcast_in_dim3A {strides = array<i32>} : memref<16x1xf32, #tpu.memory_space<vmem>>, vector<16x1xf32>,
      %broadcast_in_dim3A_47 = arith.constant 1.000000e+00 : f32
      %broadcast_in_dim3A_48 = vector.broadcast %broadcast_in_dim3A_47 : f32 to vector<16x1xf32>
      %swap3A_49 = arith.constant 0 : index
      %swap3A_50 = arith.constant 0 : index
      %swap3A_51 = vector.load %arg12[%swap3A_49, %swap3A_50] : memref<16x1xf32, #tpu.memory_space<vmem>>, vector<16x1xf32>
      tpu.vector_store %arg12[%swap3A_49, %swap3A_50], %broadcast_in_dim3A_48 {strides = array<i32>} : memref<16x1xf32, #tpu.memory_space<vmem>>, vector<16x1xf32>,
      %get3A_52 = arith.constant 0 : index
      %get3A_53 = arith.constant 0 : index
      %get3A_54 = arith.constant 0 : index
      %get3A_55 = vector.load %arg5[%get3A_52, %get3A_53, %get3A_54] : memref<1x16x64xf32, #tpu.memory_space<vmem>>, vector<1x16x64xf32>
      %reshape3A_56 = vector.shape_cast %get3A_55 : vector<1x16x64xf32> to vector<16x64xf32>
      %swap3A_57 = arith.constant 0 : index
      %swap3A_58 = arith.constant 0 : index
      %swap3A_59 = vector.load %arg10[%swap3A_57, %swap3A_58] : memref<16x64xf32, #tpu.memory_space<vmem>>, vector<16x64xf32>
      tpu.vector_store %arg10[%swap3A_57, %swap3A_58], %reshape3A_56 {strides = array<i32>} : memref<16x64xf32, #tpu.memory_space<vmem>>, vector<16x64xf32>,
    } else {
    }
    %lt3A = arith.cmpi slt, %arg1, %select_n3A : i32
    %convert_element_type3A_24 = arith.extui %lt3A : i1 to i32
    %cond3A_25 = arith.constant 0 : i32
    %cond3A_26 = arith.cmpi ne, %convert_element_type3A_24, %cond3A_25 : i32
    scf.if %cond3A_26 {
      %get3A_32 = arith.constant 0 : index
      %get3A_33 = arith.constant 0 : index
      %get3A_34 = arith.constant 0 : index
      %get3A_35 = arith.constant 0 : index
      %get3A_36 = vector.load %arg6[%get3A_32, %get3A_33, %get3A_34, %get3A_35] : memref<1x1x4096x64xf32, #tpu.memory_space<vmem>>, vector<1x1x4096x64xf32>
      %reshape3A = vector.shape_cast %get3A_36 : vector<1x1x4096x64xf32> to vector<256x16x64xf32>
      %get3A_37 = arith.constant 0 : index
      %get3A_38 = arith.constant 0 : index
      %get3A_39 = arith.constant 0 : index
      %get3A_40 = arith.constant 0 : index
      %get3A_41 = vector.load %arg7[%get3A_37, %get3A_38, %get3A_39, %get3A_40] : memref<1x1x4096x64xf32, #tpu.memory_space<vmem>>, vector<1x1x4096x64xf32>
      %reshape3A_42 = vector.shape_cast %get3A_41 : vector<1x1x4096x64xf32> to vector<256x16x64xf32>
      %get3A_43 = arith.constant 0 : index
      %get3A_44 = arith.constant 0 : index
      %get3A_45 = vector.load %arg9[%get3A_43, %get3A_44] : memref<16x64xf32, #tpu.memory_space<vmem>>, vector<16x64xf32>
      %broadcast_in_dim3A = vector.shape_cast %get3A_45 : vector<16x64xf32> to vector<1x16x64xf32>
      %mul3A = vector.broadcast %broadcast_in_dim3A : vector<1x16x64xf32> to vector<256x16x64xf32>
      %mul3A_46 = arith.mulf %reshape3A, %mul3A : vector<256x16x64xf32>
      %reduce_sum3A = arith.constant dense<0.000000e+00> : vector<256x16xf32>
      %reduce_sum3A_47 = vector.multi_reduction <add>, %mul3A_46, %reduce_sum3A [2] : vector<256x16x64xf32> to vector<256x16xf32>
      %mul3A_48 = arith.constant 256 : i32
      %mul3A_49 = arith.muli %arg1, %mul3A_48 : i32
      %iota3A = tpu.iota {dimensions = array<i32: 0>} : vector<256x16xi32>
      %add3A_50 = vector.broadcast %mul3A_49 : i32 to vector<256x16xi32>
      %add3A_51 = arith.addi %add3A_50, %iota3A : vector<256x16xi32>
      %lt3A_52 = vector.broadcast %sub3A_1 : i32 to vector<256x16xi32>
      %lt3A_53 = arith.cmpi slt, %add3A_51, %lt3A_52 : vector<256x16xi32>
      %jit3A_54 = arith.constant -1.000000e+30 : f32
      %broadcast_in_dim3A_55 = vector.broadcast %jit3A_54 : f32 to vector<256x16xf32>
      %select_n3A_56 = arith.select %lt3A_53, %reduce_sum3A_47, %broadcast_in_dim3A_55 : vector<256x16xi1>, vector<256x16xf32>
      %reduce_max3A = arith.constant dense<0xFF800000> : vector<16xf32>
      %reduce_max3A_57 = vector.multi_reduction <maximumf>, %select_n3A_56, %reduce_max3A [0] : vector<256x16xf32> to vector<16xf32>
      %broadcast_in_dim3A_58 = vector.shape_cast %reduce_max3A_57 : vector<16xf32> to vector<1x16xf32>
      %get3A_59 = arith.constant 0 : index
      %get3A_60 = arith.constant 0 : index
      %get3A_61 = vector.load %arg11[%get3A_59, %get3A_60] : memref<16x1xf32, #tpu.memory_space<vmem>>, vector<16x1xf32>
      %transpose3A = tpu.transpose %get3A_61, [1, 0] : vector<16x1xf32> -> vector<1x16xf32>
      %max3A = arith.maximumf %transpose3A, %broadcast_in_dim3A_58 : vector<1x16xf32>
      %transpose3A_62 = tpu.transpose %max3A, [1, 0] : vector<1x16xf32> -> vector<16x1xf32>
      %get3A_63 = arith.constant 0 : index
      %get3A_64 = arith.constant 0 : index
      %get3A_65 = vector.load %arg11[%get3A_63, %get3A_64] : memref<16x1xf32, #tpu.memory_space<vmem>>, vector<16x1xf32>
      %sub3A_66 = arith.subf %get3A_65, %transpose3A_62 : vector<16x1xf32>
      %exp3A = math.exp %sub3A_66 : vector<16x1xf32>
      %sub3A_67 = vector.broadcast %max3A : vector<1x16xf32> to vector<256x16xf32>
      %sub3A_68 = arith.subf %select_n3A_56, %sub3A_67 : vector<256x16xf32>
      %exp3A_69 = math.exp %sub3A_68 : vector<256x16xf32>
      %get3A_70 = arith.constant 0 : index
      %get3A_71 = arith.constant 0 : index
      %get3A_72 = vector.load %arg12[%get3A_70, %get3A_71] : memref<16x1xf32, #tpu.memory_space<vmem>>, vector<16x1xf32>
      %mul3A_73 = arith.mulf %get3A_72, %exp3A : vector<16x1xf32>
      %reduce_sum3A_74 = arith.constant dense<0.000000e+00> : vector<16xf32>
      %reduce_sum3A_75 = vector.multi_reduction <add>, %exp3A_69, %reduce_sum3A_74 [0] : vector<256x16xf32> to vector<16xf32>
      %broadcast_in_dim3A_76 = vector.shape_cast %reduce_sum3A_75 : vector<16xf32> to vector<1x16xf32>
      %transpose3A_77 = tpu.transpose %broadcast_in_dim3A_76, [1, 0] : vector<1x16xf32> -> vector<16x1xf32>
      %add3A_78 = arith.addf %mul3A_73, %transpose3A_77 : vector<16x1xf32>
      %swap3A = arith.constant 0 : index
      %swap3A_79 = arith.constant 0 : index
      %swap3A_80 = vector.load %arg12[%swap3A, %swap3A_79] : memref<16x1xf32, #tpu.memory_space<vmem>>, vector<16x1xf32>
      tpu.vector_store %arg12[%swap3A, %swap3A_79], %add3A_78 {strides = array<i32>} : memref<16x1xf32, #tpu.memory_space<vmem>>, vector<16x1xf32>,
      %swap3A_81 = arith.constant 0 : index
      %swap3A_82 = arith.constant 0 : index
      %swap3A_83 = vector.load %arg11[%swap3A_81, %swap3A_82] : memref<16x1xf32, #tpu.memory_space<vmem>>, vector<16x1xf32>
      tpu.vector_store %arg11[%swap3A_81, %swap3A_82], %transpose3A_62 {strides = array<i32>} : memref<16x1xf32, #tpu.memory_space<vmem>>, vector<16x1xf32>,
      %broadcast_in_dim3A_84 = vector.shape_cast %exp3A_69 : vector<256x16xf32> to vector<256x16x1xf32>
      %broadcast_in_dim3A_85 = vector.broadcast %broadcast_in_dim3A_84 : vector<256x16x1xf32> to vector<256x16x64xf32>
      %get3A_86 = arith.constant 0 : index
      %get3A_87 = arith.constant 0 : index
      %get3A_88 = vector.load %arg10[%get3A_86, %get3A_87] : memref<16x64xf32, #tpu.memory_space<vmem>>, vector<16x64xf32>
      %mul3A_89 = vector.broadcast %exp3A : vector<16x1xf32> to vector<16x64xf32>
      %mul3A_90 = arith.mulf %get3A_88, %mul3A_89 : vector<16x64xf32>
      %mul3A_91 = arith.mulf %broadcast_in_dim3A_85, %reshape3A_42 : vector<256x16x64xf32>
      %reduce_sum3A_92 = arith.constant dense<0.000000e+00> : vector<16x64xf32>
      %reduce_sum3A_93 = vector.multi_reduction <add>, %mul3A_91, %reduce_sum3A_92 [0] : vector<256x16x64xf32> to vector<16x64xf32>
      %add3A_94 = arith.addf %mul3A_90, %reduce_sum3A_93 : vector<16x64xf32>
      %swap3A_95 = arith.constant 0 : index
      %swap3A_96 = arith.constant 0 : index
      %swap3A_97 = vector.load %arg10[%swap3A_95, %swap3A_96] : memref<16x64xf32, #tpu.memory_space<vmem>>, vector<16x64xf32>
      tpu.vector_store %arg10[%swap3A_95, %swap3A_96], %add3A_94 {strides = array<i32>} : memref<16x64xf32, #tpu.memory_space<vmem>>, vector<16x64xf32>,
    } else {
    }
    %eq3A_27 = arith.constant 7 : i32
    %eq3A_28 = arith.cmpi eq, %arg1, %eq3A_27 : i32
    %convert_element_type3A_29 = arith.extui %eq3A_28 : i1 to i32
    %cond3A_30 = arith.constant 0 : i32
    %cond3A_31 = arith.cmpi ne, %convert_element_type3A_29, %cond3A_30 : i32
    scf.if %cond3A_31 {
      %get3A_32 = arith.constant 0 : index
      %get3A_33 = arith.constant 0 : index
      %get3A_34 = vector.load %arg10[%get3A_32, %get3A_33] : memref<16x64xf32, #tpu.memory_space<vmem>>, vector<16x64xf32>
      %get3A_35 = arith.constant 0 : index
      %get3A_36 = arith.constant 0 : index
      %get3A_37 = vector.load %arg12[%get3A_35, %get3A_36] : memref<16x1xf32, #tpu.memory_space<vmem>>, vector<16x1xf32>
      %div3A_38 = vector.broadcast %get3A_37 : vector<16x1xf32> to vector<16x64xf32>
      %div3A_39 = arith.divf %get3A_34, %div3A_38 : vector<16x64xf32>
      %reshape3A = vector.shape_cast %div3A_39 : vector<16x64xf32> to vector<1x16x64xf32>
      %swap3A = arith.constant 0 : index
      %swap3A_40 = arith.constant 0 : index
      %swap3A_41 = arith.constant 0 : index
      %swap3A_42 = vector.load %arg8[%swap3A, %swap3A_40, %swap3A_41] : memref<1x16x64xf32, #tpu.memory_space<vmem>>, vector<1x16x64xf32>
      tpu.vector_store %arg8[%swap3A, %swap3A_40, %swap3A_41], %reshape3A {strides = array<i32>} : memref<1x16x64xf32, #tpu.memory_space<vmem>>, vector<1x16x64xf32>,
    } else {
    }
    return
  }
  func.func @transform_0(%arg0: i32, %arg1: i32, %arg2: memref<16xi32, #tpu.memory_space<smem>>) -> (i32, i32, i32) {
    %c0_i32 = arith.constant 0 : i32
    %c0_i32_0 = arith.constant 0 : i32
    %c0_i32_1 = arith.constant 0 : i32
    return %arg0, %c0_i32, %c0_i32_0 : i32, i32, i32
  }
  func.func @transform_1(%arg0: i32, %arg1: i32, %arg2: memref<16xi32, #tpu.memory_space<smem>>) -> (i32, i32, i32) {
    %c0_i32 = arith.constant 0 : i32
    %c0_i32_0 = arith.constant 0 : i32
    %c0_i32_1 = arith.constant 0 : i32
    return %arg0, %c0_i32, %c0_i32_0 : i32, i32, i32
  }
  func.func @transform_2(%arg0: i32, %arg1: i32, %arg2: memref<16xi32, #tpu.memory_space<smem>>) -> (i32, i32, i32) {
    %c0_i32 = arith.constant 0 : i32
    %c0_i32_0 = arith.constant 0 : i32
    %c0_i32_1 = arith.constant 0 : i32
    return %arg0, %c0_i32, %c0_i32_0 : i32, i32, i32
  }
  func.func @transform_3(%arg0: i32, %arg1: i32, %arg2: memref<16xi32, #tpu.memory_space<smem>>) -> (i32, i32, i32, i32) {
    %get3A = arith.index_cast %arg0 : i32 to index
    %get3A_0 = memref.load %arg2[%get3A] : memref<16xi32, #tpu.memory_space<smem>>
    %sub3A = arith.constant 1 : i32
    %sub3A_1 = arith.subi %get3A_0, %sub3A : i32
    %add3A = arith.constant 256 : i32
    %add3A_2 = arith.addi %sub3A_1, %add3A : i32
    %sub3A_3 = arith.constant 1 : i32
    %sub3A_4 = arith.subi %add3A_2, %sub3A_3 : i32
    %jit3A = arith.constant 256 : i32
    %div3A = arith.divsi %sub3A_4, %jit3A : i32
    %sign3A = arith.constant 0 : i32
    %sign3A_5 = arith.cmpi sgt, %sub3A_4, %sign3A : i32
    %sign3A_6 = arith.extui %sign3A_5 : i1 to i32
    %sign3A_7 = arith.constant 0 : i32
    %sign3A_8 = arith.cmpi slt, %sub3A_4, %sign3A_7 : i32
    %sign3A_9 = arith.extui %sign3A_8 : i1 to i32
    %sign3A_10 = arith.subi %sign3A_6, %sign3A_9 : i32
    %sign3A_11 = arith.constant 0 : i32
    %sign3A_12 = arith.cmpi sgt, %jit3A, %sign3A_11 : i32
    %sign3A_13 = arith.extui %sign3A_12 : i1 to i32
    %sign3A_14 = arith.constant 0 : i32
    %sign3A_15 = arith.cmpi slt, %jit3A, %sign3A_14 : i32
    %sign3A_16 = arith.extui %sign3A_15 : i1 to i32
    %sign3A_17 = arith.subi %sign3A_13, %sign3A_16 : i32
    %ne3A = arith.cmpi ne, %sign3A_10, %sign3A_17 : i32
    %rem3A = arith.remsi %sub3A_4, %jit3A : i32
    %ne3A_18 = arith.constant 0 : i32
    %ne3A_19 = arith.cmpi ne, %rem3A, %ne3A_18 : i32
    %and3A = arith.andi %ne3A, %ne3A_19 : i1
    %sub3A_20 = arith.constant 1 : i32
    %sub3A_21 = arith.subi %div3A, %sub3A_20 : i32
    %select_n3A = arith.select %and3A, %sub3A_21, %div3A : i32
    %sub3A_22 = arith.constant 1 : i32
    %sub3A_23 = arith.subi %select_n3A, %sub3A_22 : i32
    %max3A = arith.constant 0 : i32
    %max3A_24 = arith.maxsi %sub3A_23, %max3A : i32
    %min3A = arith.minsi %arg1, %max3A_24 : i32
    %c0_i32 = arith.constant 0 : i32
    %c0_i32_25 = arith.constant 0 : i32
    %c0_i32_26 = arith.constant 0 : i32
    return %c0_i32, %arg0, %min3A, %c0_i32_25 : i32, i32, i32, i32
  }
  func.func @transform_4(%arg0: i32, %arg1: i32, %arg2: memref<16xi32, #tpu.memory_space<smem>>) -> (i32, i32, i32, i32) {
    %get3A = arith.index_cast %arg0 : i32 to index
    %get3A_0 = memref.load %arg2[%get3A] : memref<16xi32, #tpu.memory_space<smem>>
    %sub3A = arith.constant 1 : i32
    %sub3A_1 = arith.subi %get3A_0, %sub3A : i32
    %add3A = arith.constant 256 : i32
    %add3A_2 = arith.addi %sub3A_1, %add3A : i32
    %sub3A_3 = arith.constant 1 : i32
    %sub3A_4 = arith.subi %add3A_2, %sub3A_3 : i32
    %jit3A = arith.constant 256 : i32
    %div3A = arith.divsi %sub3A_4, %jit3A : i32
    %sign3A = arith.constant 0 : i32
    %sign3A_5 = arith.cmpi sgt, %sub3A_4, %sign3A : i32
    %sign3A_6 = arith.extui %sign3A_5 : i1 to i32
    %sign3A_7 = arith.constant 0 : i32
    %sign3A_8 = arith.cmpi slt, %sub3A_4, %sign3A_7 : i32
    %sign3A_9 = arith.extui %sign3A_8 : i1 to i32
    %sign3A_10 = arith.subi %sign3A_6, %sign3A_9 : i32
    %sign3A_11 = arith.constant 0 : i32
    %sign3A_12 = arith.cmpi sgt, %jit3A, %sign3A_11 : i32
    %sign3A_13 = arith.extui %sign3A_12 : i1 to i32
    %sign3A_14 = arith.constant 0 : i32
    %sign3A_15 = arith.cmpi slt, %jit3A, %sign3A_14 : i32
    %sign3A_16 = arith.extui %sign3A_15 : i1 to i32
    %sign3A_17 = arith.subi %sign3A_13, %sign3A_16 : i32
    %ne3A = arith.cmpi ne, %sign3A_10, %sign3A_17 : i32
    %rem3A = arith.remsi %sub3A_4, %jit3A : i32
    %ne3A_18 = arith.constant 0 : i32
    %ne3A_19 = arith.cmpi ne, %rem3A, %ne3A_18 : i32
    %and3A = arith.andi %ne3A, %ne3A_19 : i1
    %sub3A_20 = arith.constant 1 : i32
    %sub3A_21 = arith.subi %div3A, %sub3A_20 : i32
    %select_n3A = arith.select %and3A, %sub3A_21, %div3A : i32
    %sub3A_22 = arith.constant 1 : i32
    %sub3A_23 = arith.subi %select_n3A, %sub3A_22 : i32
    %max3A = arith.constant 0 : i32
    %max3A_24 = arith.maxsi %sub3A_23, %max3A : i32
    %min3A = arith.minsi %arg1, %max3A_24 : i32
    %c1_i32 = arith.constant 1 : i32
    %c0_i32 = arith.constant 0 : i32
    %c0_i32_25 = arith.constant 0 : i32
    return %c1_i32, %arg0, %min3A, %c0_i32 : i32, i32, i32, i32
  }
  func.func @transform_5(%arg0: i32, %arg1: i32, %arg2: memref<16xi32, #tpu.memory_space<smem>>) -> (i32, i32, i32) {
    %c0_i32 = arith.constant 0 : i32
    %c0_i32_0 = arith.constant 0 : i32
    %c0_i32_1 = arith.constant 0 : i32
    return %arg0, %c0_i32, %c0_i32_0 : i32, i32, i32
  }
}

module attributes {stable_mosaic.version = 14 : i64} {
  func.func @_mid_body(%arg0: memref<16x1024xf32, #tpu.memory_space<vmem>>, %arg1: memref<16x2048xf32, #tpu.memory_space<vmem>>, %arg2: memref<2048x1024xf32, #tpu.memory_space<vmem>>, %arg3: memref<1x2048xf32, #tpu.memory_space<vmem>>, %arg4: memref<8x2048xf32, #tpu.memory_space<vmem>>, %arg5: memref<2816x2048xf32, #tpu.memory_space<vmem>>, %arg6: memref<2048x1408xf32, #tpu.memory_space<vmem>>, %arg7: memref<16x2048xf32, #tpu.memory_space<vmem>>, %arg8: memref<8x16xf32, #tpu.memory_space<vmem>>, %arg9: memref<16x2048xf32, #tpu.memory_space<vmem>>) attributes {dimension_semantics = [], scalar_prefetch = 0 : i64, scratch_operands = 0 : i64, tpu.core_type = #tpu.core_type<tc>} {
    %get3A = arith.constant 0 : index
    %get3A_0 = arith.constant 0 : index
    %get3A_1 = vector.load %arg0[%get3A, %get3A_0] : memref<16x1024xf32, #tpu.memory_space<vmem>>, vector<16x1024xf32>
    %get3A_2 = arith.constant 0 : index
    %get3A_3 = arith.constant 0 : index
    %get3A_4 = vector.load %arg2[%get3A_2, %get3A_3] : memref<2048x1024xf32, #tpu.memory_space<vmem>>, vector<2048x1024xf32>
    %dot_general3A = arith.constant dense<0.000000e+00> : vector<16x2048xf32>
    %dot_general3A_5 = tpu.matmul %get3A_1, %get3A_4, %dot_general3A {dimension_numbers = #tpu.dot_dimension_numbers<[1], [1], [0], [0], [0, 0, 1, 0], [], []>, transpose_lhs_hint = false} : vector<16x1024xf32>, vector<2048x1024xf32>, vector<16x2048xf32> -> vector<16x2048xf32>
    %get3A_6 = arith.constant 0 : index
    %get3A_7 = arith.constant 0 : index
    %get3A_8 = vector.load %arg1[%get3A_6, %get3A_7] : memref<16x2048xf32, #tpu.memory_space<vmem>>, vector<16x2048xf32>
    %add3A = arith.addf %get3A_8, %dot_general3A_5 : vector<16x2048xf32>
    %get3A_9 = arith.constant 0 : index
    %get3A_10 = arith.constant 0 : index
    %get3A_11 = vector.load %arg3[%get3A_9, %get3A_10] : memref<1x2048xf32, #tpu.memory_space<vmem>>, vector<1x2048xf32>
    %mul3A = arith.mulf %add3A, %add3A : vector<16x2048xf32>
    %reduce_sum3A = arith.constant dense<0.000000e+00> : vector<16xf32>
    %reduce_sum3A_12 = vector.multi_reduction <add>, %mul3A, %reduce_sum3A [1] : vector<16x2048xf32> to vector<16xf32>
    %broadcast_in_dim3A = vector.shape_cast %reduce_sum3A_12 : vector<16xf32> to vector<16x1xf32>
    %div3A = arith.constant 2.048000e+03 : f32
    %div3A_13 = vector.broadcast %div3A : f32 to vector<16x1xf32>
    %div3A_14 = arith.divf %broadcast_in_dim3A, %div3A_13 : vector<16x1xf32>
    %add3A_15 = arith.constant 9.99999997E-7 : f32
    %add3A_16 = vector.broadcast %add3A_15 : f32 to vector<16x1xf32>
    %add3A_17 = arith.addf %div3A_14, %add3A_16 : vector<16x1xf32>
    %rsqrt3A = math.rsqrt %add3A_17 : vector<16x1xf32>
    %mul3A_18 = vector.broadcast %rsqrt3A : vector<16x1xf32> to vector<16x2048xf32>
    %mul3A_19 = arith.mulf %add3A, %mul3A_18 : vector<16x2048xf32>
    %mul3A_20 = vector.broadcast %get3A_11 : vector<1x2048xf32> to vector<16x2048xf32>
    %mul3A_21 = arith.mulf %mul3A_19, %mul3A_20 : vector<16x2048xf32>
    %swap3A = arith.constant 0 : index
    %swap3A_22 = arith.constant 0 : index
    %swap3A_23 = vector.load %arg7[%swap3A, %swap3A_22] : memref<16x2048xf32, #tpu.memory_space<vmem>>, vector<16x2048xf32>
    tpu.vector_store %arg7[%swap3A, %swap3A_22], %mul3A_21 {strides = array<i32>} : memref<16x2048xf32, #tpu.memory_space<vmem>>, vector<16x2048xf32>,
    %get3A_24 = arith.constant 0 : index
    %get3A_25 = arith.constant 0 : index
    %get3A_26 = vector.load %arg4[%get3A_24, %get3A_25] : memref<8x2048xf32, #tpu.memory_space<vmem>>, vector<8x2048xf32>
    %dot_general3A_27 = arith.constant dense<0.000000e+00> : vector<8x16xf32>
    %dot_general3A_28 = tpu.matmul %get3A_26, %mul3A_21, %dot_general3A_27 {dimension_numbers = #tpu.dot_dimension_numbers<[1], [1], [0], [0], [0, 0, 1, 0], [], []>, transpose_lhs_hint = false} : vector<8x2048xf32>, vector<16x2048xf32>, vector<8x16xf32> -> vector<8x16xf32>
    %swap3A_29 = arith.constant 0 : index
    %swap3A_30 = arith.constant 0 : index
    %swap3A_31 = vector.load %arg8[%swap3A_29, %swap3A_30] : memref<8x16xf32, #tpu.memory_space<vmem>>, vector<8x16xf32>
    tpu.vector_store %arg8[%swap3A_29, %swap3A_30], %dot_general3A_28 {strides = array<i32>} : memref<8x16xf32, #tpu.memory_space<vmem>>, vector<8x16xf32>,
    %get3A_32 = arith.constant 0 : index
    %get3A_33 = arith.constant 0 : index
    %get3A_34 = vector.load %arg5[%get3A_32, %get3A_33] : memref<2816x2048xf32, #tpu.memory_space<vmem>>, vector<2816x2048xf32>
    %dot_general3A_35 = arith.constant dense<0.000000e+00> : vector<16x2816xf32>
    %dot_general3A_36 = tpu.matmul %mul3A_21, %get3A_34, %dot_general3A_35 {dimension_numbers = #tpu.dot_dimension_numbers<[1], [1], [0], [0], [0, 0, 1, 0], [], []>, transpose_lhs_hint = false} : vector<16x2048xf32>, vector<2816x2048xf32>, vector<16x2816xf32> -> vector<16x2816xf32>
    %slice3A = vector.extract_strided_slice %dot_general3A_36 {offsets = [0, 0], sizes = [16, 1408], strides = [1, 1]} : vector<16x2816xf32> to vector<16x1408xf32>
    %slice3A_37 = vector.extract_strided_slice %dot_general3A_36 {offsets = [0, 1408], sizes = [16, 1408], strides = [1, 1]} : vector<16x2816xf32> to vector<16x1408xf32>
    %logistic3A = arith.negf %slice3A : vector<16x1408xf32>
    %logistic3A_38 = math.exp %logistic3A : vector<16x1408xf32>
    %logistic3A_39 = arith.constant 1.000000e+00 : f32
    %logistic3A_40 = vector.broadcast %logistic3A_39 : f32 to vector<16x1408xf32>
    %logistic3A_41 = arith.addf %logistic3A_40, %logistic3A_38 : vector<16x1408xf32>
    %logistic3A_42 = arith.divf %logistic3A_40, %logistic3A_41 : vector<16x1408xf32>
    %mul3A_43 = arith.mulf %slice3A, %logistic3A_42 : vector<16x1408xf32>
    %mul3A_44 = arith.mulf %mul3A_43, %slice3A_37 : vector<16x1408xf32>
    %get3A_45 = arith.constant 0 : index
    %get3A_46 = arith.constant 0 : index
    %get3A_47 = vector.load %arg6[%get3A_45, %get3A_46] : memref<2048x1408xf32, #tpu.memory_space<vmem>>, vector<2048x1408xf32>
    %dot_general3A_48 = arith.constant dense<0.000000e+00> : vector<16x2048xf32>
    %dot_general3A_49 = tpu.matmul %mul3A_44, %get3A_47, %dot_general3A_48 {dimension_numbers = #tpu.dot_dimension_numbers<[1], [1], [0], [0], [0, 0, 1, 0], [], []>, transpose_lhs_hint = false} : vector<16x1408xf32>, vector<2048x1408xf32>, vector<16x2048xf32> -> vector<16x2048xf32>
    %add3A_50 = arith.addf %add3A, %dot_general3A_49 : vector<16x2048xf32>
    %swap3A_51 = arith.constant 0 : index
    %swap3A_52 = arith.constant 0 : index
    %swap3A_53 = vector.load %arg9[%swap3A_51, %swap3A_52] : memref<16x2048xf32, #tpu.memory_space<vmem>>, vector<16x2048xf32>
    tpu.vector_store %arg9[%swap3A_51, %swap3A_52], %add3A_50 {strides = array<i32>} : memref<16x2048xf32, #tpu.memory_space<vmem>>, vector<16x2048xf32>,
    return
  }
}

module attributes {stable_mosaic.version = 14 : i64} {
  func.func @_moe_body(%arg0: i32, %arg1: i32, %arg2: memref<16x2048xf32, #tpu.memory_space<vmem>>, %arg3: memref<16x2048xf32, #tpu.memory_space<vmem>>, %arg4: memref<1x16x1xf32, #tpu.memory_space<vmem>>, %arg5: memref<1x16x1xf32, #tpu.memory_space<vmem>>, %arg6: memref<1x128x2048xf32, #tpu.memory_space<vmem>>, %arg7: memref<1x128x2048xf32, #tpu.memory_space<vmem>>, %arg8: memref<1x2048x128xf32, #tpu.memory_space<vmem>>, %arg9: memref<1x128x2048xf32, #tpu.memory_space<vmem>>, %arg10: memref<1x128x2048xf32, #tpu.memory_space<vmem>>, %arg11: memref<1x2048x128xf32, #tpu.memory_space<vmem>>, %arg12: memref<16x2048xf32, #tpu.memory_space<vmem>>) attributes {dimension_semantics = [#tpu.dimension_semantics<arbitrary>, #tpu.dimension_semantics<arbitrary>], iteration_bounds = array<i64: 4, 11>, scalar_prefetch = 0 : i64, scratch_operands = 0 : i64, tpu.core_type = #tpu.core_type<tc>, window_params = [{pipeline_mode = #tpu.pipeline_mode<synchronous>, transform_indices = @transform_0, window_bounds = array<i64: 16, 2048>}, {pipeline_mode = #tpu.pipeline_mode<synchronous>, transform_indices = @transform_1, window_bounds = array<i64: 16, 2048>}, {transform_indices = @transform_2, window_bounds = array<i64: 1, 16, 1>}, {transform_indices = @transform_3, window_bounds = array<i64: 1, 16, 1>}, {transform_indices = @transform_4, window_bounds = array<i64: 1, 128, 2048>}, {transform_indices = @transform_5, window_bounds = array<i64: 1, 128, 2048>}, {transform_indices = @transform_6, window_bounds = array<i64: 1, 2048, 128>}, {transform_indices = @transform_7, window_bounds = array<i64: 1, 128, 2048>}, {transform_indices = @transform_8, window_bounds = array<i64: 1, 128, 2048>}, {transform_indices = @transform_9, window_bounds = array<i64: 1, 2048, 128>}, {pipeline_mode = #tpu.pipeline_mode<synchronous>, transform_indices = @transform_10, window_bounds = array<i64: 16, 2048>}]} {
    %eq3A = arith.constant 0 : i32
    %eq3A_0 = arith.cmpi eq, %arg0, %eq3A : i32
    %eq3A_1 = arith.constant 0 : i32
    %eq3A_2 = arith.cmpi eq, %arg1, %eq3A_1 : i32
    %and3A = arith.andi %eq3A_0, %eq3A_2 : i1
    %convert_element_type3A = arith.extui %and3A : i1 to i32
    %cond3A = arith.constant 0 : i32
    %cond3A_3 = arith.cmpi ne, %convert_element_type3A, %cond3A : i32
    scf.if %cond3A_3 {
      %get3A_80 = arith.constant 0 : index
      %get3A_81 = arith.constant 0 : index
      %get3A_82 = vector.load %arg3[%get3A_80, %get3A_81] : memref<16x2048xf32, #tpu.memory_space<vmem>>, vector<16x2048xf32>
      %swap3A_83 = arith.constant 0 : index
      %swap3A_84 = arith.constant 0 : index
      %swap3A_85 = vector.load %arg12[%swap3A_83, %swap3A_84] : memref<16x2048xf32, #tpu.memory_space<vmem>>, vector<16x2048xf32>
      tpu.vector_store %arg12[%swap3A_83, %swap3A_84], %get3A_82 {strides = array<i32>} : memref<16x2048xf32, #tpu.memory_space<vmem>>, vector<16x2048xf32>,
    } else {
    }
    %get3A = arith.constant 0 : index
    %get3A_4 = arith.constant 0 : index
    %get3A_5 = vector.load %arg2[%get3A, %get3A_4] : memref<16x2048xf32, #tpu.memory_space<vmem>>, vector<16x2048xf32>
    %get3A_6 = arith.constant 0 : index
    %get3A_7 = arith.constant 0 : index
    %get3A_8 = vector.load %arg12[%get3A_6, %get3A_7] : memref<16x2048xf32, #tpu.memory_space<vmem>>, vector<16x2048xf32>
    %get3A_9 = arith.constant 0 : index
    %get3A_10 = arith.constant 0 : index
    %get3A_11 = arith.constant 0 : index
    %get3A_12 = vector.load %arg6[%get3A_9, %get3A_10, %get3A_11] : memref<1x128x2048xf32, #tpu.memory_space<vmem>>, vector<1x128x2048xf32>
    %reshape3A = vector.shape_cast %get3A_12 : vector<1x128x2048xf32> to vector<128x2048xf32>
    %dot_general3A = arith.constant dense<0.000000e+00> : vector<16x128xf32>
    %dot_general3A_13 = tpu.matmul %get3A_5, %reshape3A, %dot_general3A {dimension_numbers = #tpu.dot_dimension_numbers<[1], [1], [0], [0], [0, 0, 1, 0], [], []>, transpose_lhs_hint = false} : vector<16x2048xf32>, vector<128x2048xf32>, vector<16x128xf32> -> vector<16x128xf32>
    %get3A_14 = arith.constant 0 : index
    %get3A_15 = arith.constant 0 : index
    %get3A_16 = arith.constant 0 : index
    %get3A_17 = vector.load %arg7[%get3A_14, %get3A_15, %get3A_16] : memref<1x128x2048xf32, #tpu.memory_space<vmem>>, vector<1x128x2048xf32>
    %reshape3A_18 = vector.shape_cast %get3A_17 : vector<1x128x2048xf32> to vector<128x2048xf32>
    %dot_general3A_19 = arith.constant dense<0.000000e+00> : vector<16x128xf32>
    %dot_general3A_20 = tpu.matmul %get3A_5, %reshape3A_18, %dot_general3A_19 {dimension_numbers = #tpu.dot_dimension_numbers<[1], [1], [0], [0], [0, 0, 1, 0], [], []>, transpose_lhs_hint = false} : vector<16x2048xf32>, vector<128x2048xf32>, vector<16x128xf32> -> vector<16x128xf32>
    %logistic3A = arith.negf %dot_general3A_13 : vector<16x128xf32>
    %logistic3A_21 = math.exp %logistic3A : vector<16x128xf32>
    %logistic3A_22 = arith.constant 1.000000e+00 : f32
    %logistic3A_23 = vector.broadcast %logistic3A_22 : f32 to vector<16x128xf32>
    %logistic3A_24 = arith.addf %logistic3A_23, %logistic3A_21 : vector<16x128xf32>
    %logistic3A_25 = arith.divf %logistic3A_23, %logistic3A_24 : vector<16x128xf32>
    %mul3A = arith.mulf %dot_general3A_13, %logistic3A_25 : vector<16x128xf32>
    %mul3A_26 = arith.mulf %mul3A, %dot_general3A_20 : vector<16x128xf32>
    %get3A_27 = arith.constant 0 : index
    %get3A_28 = arith.constant 0 : index
    %get3A_29 = arith.constant 0 : index
    %get3A_30 = vector.load %arg4[%get3A_27, %get3A_28, %get3A_29] : memref<1x16x1xf32, #tpu.memory_space<vmem>>, vector<1x16x1xf32>
    %reshape3A_31 = vector.shape_cast %get3A_30 : vector<1x16x1xf32> to vector<16x1xf32>
    %mul3A_32 = vector.broadcast %reshape3A_31 : vector<16x1xf32> to vector<16x128xf32>
    %mul3A_33 = arith.mulf %mul3A_26, %mul3A_32 : vector<16x128xf32>
    %get3A_34 = arith.constant 0 : index
    %get3A_35 = arith.constant 0 : index
    %get3A_36 = arith.constant 0 : index
    %get3A_37 = vector.load %arg8[%get3A_34, %get3A_35, %get3A_36] : memref<1x2048x128xf32, #tpu.memory_space<vmem>>, vector<1x2048x128xf32>
    %reshape3A_38 = vector.shape_cast %get3A_37 : vector<1x2048x128xf32> to vector<2048x128xf32>
    %dot_general3A_39 = arith.constant dense<0.000000e+00> : vector<16x2048xf32>
    %dot_general3A_40 = tpu.matmul %mul3A_33, %reshape3A_38, %dot_general3A_39 {dimension_numbers = #tpu.dot_dimension_numbers<[1], [1], [0], [0], [0, 0, 1, 0], [], []>, transpose_lhs_hint = false} : vector<16x128xf32>, vector<2048x128xf32>, vector<16x2048xf32> -> vector<16x2048xf32>
    %get3A_41 = arith.constant 0 : index
    %get3A_42 = arith.constant 0 : index
    %get3A_43 = arith.constant 0 : index
    %get3A_44 = vector.load %arg9[%get3A_41, %get3A_42, %get3A_43] : memref<1x128x2048xf32, #tpu.memory_space<vmem>>, vector<1x128x2048xf32>
    %reshape3A_45 = vector.shape_cast %get3A_44 : vector<1x128x2048xf32> to vector<128x2048xf32>
    %dot_general3A_46 = arith.constant dense<0.000000e+00> : vector<16x128xf32>
    %dot_general3A_47 = tpu.matmul %get3A_5, %reshape3A_45, %dot_general3A_46 {dimension_numbers = #tpu.dot_dimension_numbers<[1], [1], [0], [0], [0, 0, 1, 0], [], []>, transpose_lhs_hint = false} : vector<16x2048xf32>, vector<128x2048xf32>, vector<16x128xf32> -> vector<16x128xf32>
    %get3A_48 = arith.constant 0 : index
    %get3A_49 = arith.constant 0 : index
    %get3A_50 = arith.constant 0 : index
    %get3A_51 = vector.load %arg10[%get3A_48, %get3A_49, %get3A_50] : memref<1x128x2048xf32, #tpu.memory_space<vmem>>, vector<1x128x2048xf32>
    %reshape3A_52 = vector.shape_cast %get3A_51 : vector<1x128x2048xf32> to vector<128x2048xf32>
    %dot_general3A_53 = arith.constant dense<0.000000e+00> : vector<16x128xf32>
    %dot_general3A_54 = tpu.matmul %get3A_5, %reshape3A_52, %dot_general3A_53 {dimension_numbers = #tpu.dot_dimension_numbers<[1], [1], [0], [0], [0, 0, 1, 0], [], []>, transpose_lhs_hint = false} : vector<16x2048xf32>, vector<128x2048xf32>, vector<16x128xf32> -> vector<16x128xf32>
    %logistic3A_55 = arith.negf %dot_general3A_47 : vector<16x128xf32>
    %logistic3A_56 = math.exp %logistic3A_55 : vector<16x128xf32>
    %logistic3A_57 = arith.constant 1.000000e+00 : f32
    %logistic3A_58 = vector.broadcast %logistic3A_57 : f32 to vector<16x128xf32>
    %logistic3A_59 = arith.addf %logistic3A_58, %logistic3A_56 : vector<16x128xf32>
    %logistic3A_60 = arith.divf %logistic3A_58, %logistic3A_59 : vector<16x128xf32>
    %mul3A_61 = arith.mulf %dot_general3A_47, %logistic3A_60 : vector<16x128xf32>
    %mul3A_62 = arith.mulf %mul3A_61, %dot_general3A_54 : vector<16x128xf32>
    %get3A_63 = arith.constant 0 : index
    %get3A_64 = arith.constant 0 : index
    %get3A_65 = arith.constant 0 : index
    %get3A_66 = vector.load %arg5[%get3A_63, %get3A_64, %get3A_65] : memref<1x16x1xf32, #tpu.memory_space<vmem>>, vector<1x16x1xf32>
    %reshape3A_67 = vector.shape_cast %get3A_66 : vector<1x16x1xf32> to vector<16x1xf32>
    %mul3A_68 = vector.broadcast %reshape3A_67 : vector<16x1xf32> to vector<16x128xf32>
    %mul3A_69 = arith.mulf %mul3A_62, %mul3A_68 : vector<16x128xf32>
    %get3A_70 = arith.constant 0 : index
    %get3A_71 = arith.constant 0 : index
    %get3A_72 = arith.constant 0 : index
    %get3A_73 = vector.load %arg11[%get3A_70, %get3A_71, %get3A_72] : memref<1x2048x128xf32, #tpu.memory_space<vmem>>, vector<1x2048x128xf32>
    %reshape3A_74 = vector.shape_cast %get3A_73 : vector<1x2048x128xf32> to vector<2048x128xf32>
    %dot_general3A_75 = arith.constant dense<0.000000e+00> : vector<16x2048xf32>
    %dot_general3A_76 = tpu.matmul %mul3A_69, %reshape3A_74, %dot_general3A_75 {dimension_numbers = #tpu.dot_dimension_numbers<[1], [1], [0], [0], [0, 0, 1, 0], [], []>, transpose_lhs_hint = false} : vector<16x128xf32>, vector<2048x128xf32>, vector<16x2048xf32> -> vector<16x2048xf32>
    %add3A = arith.addf %dot_general3A_40, %dot_general3A_76 : vector<16x2048xf32>
    %add3A_77 = arith.addf %get3A_8, %add3A : vector<16x2048xf32>
    %swap3A = arith.constant 0 : index
    %swap3A_78 = arith.constant 0 : index
    %swap3A_79 = vector.load %arg12[%swap3A, %swap3A_78] : memref<16x2048xf32, #tpu.memory_space<vmem>>, vector<16x2048xf32>
    tpu.vector_store %arg12[%swap3A, %swap3A_78], %add3A_77 {strides = array<i32>} : memref<16x2048xf32, #tpu.memory_space<vmem>>, vector<16x2048xf32>,
    return
  }
  func.func @transform_0(%arg0: i32, %arg1: i32) -> (i32, i32) {
    %c0_i32 = arith.constant 0 : i32
    %c0_i32_0 = arith.constant 0 : i32
    %c0_i32_1 = arith.constant 0 : i32
    return %c0_i32, %c0_i32_0 : i32, i32
  }
  func.func @transform_1(%arg0: i32, %arg1: i32) -> (i32, i32) {
    %c0_i32 = arith.constant 0 : i32
    %c0_i32_0 = arith.constant 0 : i32
    %c0_i32_1 = arith.constant 0 : i32
    return %c0_i32, %c0_i32_0 : i32, i32
  }
  func.func @transform_2(%arg0: i32, %arg1: i32) -> (i32, i32, i32) {
    %mul3A = arith.constant 2 : i32
    %mul3A_0 = arith.muli %mul3A, %arg0 : i32
    %c0_i32 = arith.constant 0 : i32
    %c0_i32_1 = arith.constant 0 : i32
    %c0_i32_2 = arith.constant 0 : i32
    return %mul3A_0, %c0_i32, %c0_i32_1 : i32, i32, i32
  }
  func.func @transform_3(%arg0: i32, %arg1: i32) -> (i32, i32, i32) {
    %mul3A = arith.constant 2 : i32
    %mul3A_0 = arith.muli %mul3A, %arg0 : i32
    %add3A = arith.constant 1 : i32
    %add3A_1 = arith.addi %mul3A_0, %add3A : i32
    %c0_i32 = arith.constant 0 : i32
    %c0_i32_2 = arith.constant 0 : i32
    %c0_i32_3 = arith.constant 0 : i32
    return %add3A_1, %c0_i32, %c0_i32_2 : i32, i32, i32
  }
  func.func @transform_4(%arg0: i32, %arg1: i32) -> (i32, i32, i32) {
    %mul3A = arith.constant 2 : i32
    %mul3A_0 = arith.muli %mul3A, %arg0 : i32
    %c0_i32 = arith.constant 0 : i32
    %c0_i32_1 = arith.constant 0 : i32
    return %mul3A_0, %arg1, %c0_i32 : i32, i32, i32
  }
  func.func @transform_5(%arg0: i32, %arg1: i32) -> (i32, i32, i32) {
    %mul3A = arith.constant 2 : i32
    %mul3A_0 = arith.muli %mul3A, %arg0 : i32
    %add3A = arith.constant 11 : i32
    %add3A_1 = arith.addi %add3A, %arg1 : i32
    %c0_i32 = arith.constant 0 : i32
    %c0_i32_2 = arith.constant 0 : i32
    return %mul3A_0, %add3A_1, %c0_i32 : i32, i32, i32
  }
  func.func @transform_6(%arg0: i32, %arg1: i32) -> (i32, i32, i32) {
    %mul3A = arith.constant 2 : i32
    %mul3A_0 = arith.muli %mul3A, %arg0 : i32
    %c0_i32 = arith.constant 0 : i32
    %c0_i32_1 = arith.constant 0 : i32
    return %mul3A_0, %c0_i32, %arg1 : i32, i32, i32
  }
  func.func @transform_7(%arg0: i32, %arg1: i32) -> (i32, i32, i32) {
    %mul3A = arith.constant 2 : i32
    %mul3A_0 = arith.muli %mul3A, %arg0 : i32
    %add3A = arith.constant 1 : i32
    %add3A_1 = arith.addi %mul3A_0, %add3A : i32
    %c0_i32 = arith.constant 0 : i32
    %c0_i32_2 = arith.constant 0 : i32
    return %add3A_1, %arg1, %c0_i32 : i32, i32, i32
  }
  func.func @transform_8(%arg0: i32, %arg1: i32) -> (i32, i32, i32) {
    %mul3A = arith.constant 2 : i32
    %mul3A_0 = arith.muli %mul3A, %arg0 : i32
    %add3A = arith.constant 1 : i32
    %add3A_1 = arith.addi %mul3A_0, %add3A : i32
    %add3A_2 = arith.constant 11 : i32
    %add3A_3 = arith.addi %add3A_2, %arg1 : i32
    %c0_i32 = arith.constant 0 : i32
    %c0_i32_4 = arith.constant 0 : i32
    return %add3A_1, %add3A_3, %c0_i32 : i32, i32, i32
  }
  func.func @transform_9(%arg0: i32, %arg1: i32) -> (i32, i32, i32) {
    %mul3A = arith.constant 2 : i32
    %mul3A_0 = arith.muli %mul3A, %arg0 : i32
    %add3A = arith.constant 1 : i32
    %add3A_1 = arith.addi %mul3A_0, %add3A : i32
    %c0_i32 = arith.constant 0 : i32
    %c0_i32_2 = arith.constant 0 : i32
    return %add3A_1, %c0_i32, %arg1 : i32, i32, i32
  }
  func.func @transform_10(%arg0: i32, %arg1: i32) -> (i32, i32) {
    %c0_i32 = arith.constant 0 : i32
    %c0_i32_0 = arith.constant 0 : i32
    %c0_i32_1 = arith.constant 0 : i32
    return %c0_i32, %c0_i32_0 : i32, i32
  }
}

</mosaic_0001>

<sc_bundles>
// kernel: kernel.7.cloned.1.call-start
scs
__scs_entry_jumppad:
0x0: {  	(pc) =	sbr.rel $0x88, $3  }
0x1: {  	(tag) =	ssettag $0x0;
	lr =	simm.s32 $0x1  }
0x2: {  	[smem:$0x3F94] =	sst lr;
	_ =	strace $0xD0000000  }
0x3: {  	_ = 	snop  }
0x4: {  	_ = 	snop  }
0x5: {  	_ = 	snop  }
0x6: {  	_ = 	snop  }
0x7: {  	_ = 	snop  }
__scs_overlays_trampoline_lowered:
0x8: {  	[smem:$0x3FA3] =	sst s0  }
0x9: {  	[smem:$0x3FA4] =	sst s1  }
0xa: {  	[smem:$0x3FA5] =	sst s2  }
0xb: {  	[smem:$0x3FA6] =	sst s3  }
0xc: {  	[smem:$0x3FA7] =	sst s4  }
0xd: {  	[smem:$0x3FA8] =	sst s5  }
0xe: {  	[smem:$0x3FA9] =	sst s6  }
0xf: {  	[smem:$0x3FAA] =	sst s7  }
0x10: {  	[smem:$0x3FAB] =	sst s8  }
0x11: {  	[smem:$0x3FAC] =	sst s9;
	s0 =	simm.s32 @!p0 $0x0  }
0x12: {  	s1 =	sld [smem:$0x3F92];
	s0 =	simm.s32 @p0 $0x1  }
0x13: {  	[smem:$0x3FAD] =	sst s0;
	s0 =	simm.s32 @!p1 $0x0  }
0x14: {  	s2 =	sld [smem:$0x3F91];
	s0 =	simm.s32 @p1 $0x1  }
0x15: {  	[smem:$0x3FAE] =	sst s0;
	s0 =	simm.s32 @!p2 $0x0  }
0x16: {  	s3 =	sld [smem:$0x3FDB];
	s0 =	simm.s32 @p2 $0x1  }
0x17: {  	s4 =	simm.s32 $0x1BF5;
	[smem:$0x3FB0] =	sst s0  }
0x18: {  	s0 =	sld [smem:$0x3F93];
	_ =	swait.ge [sflag:s4], $0x0  }
0x19: {  	s7 =	sld [smem:$0x3F94]  }
0x1a: {  	s8 =	sadd.s32 $0xFFFFE003, lr  }
0x1b: {  	s9 =	sadd.s32 $0xFFFFFEF7, lr;
	s5 =	simm.s32 $0xFFFFFFFF;
	p2 =	slt.u32 s8, $0xFFFFF086  }
0x1c: {  	p1 =	slt.u32 s9, $0xF7A;
	s5 =	simm.s32 @!p2 $0x0  }
0x1d: {  	s5 =	simm.s32 @p1 $0x1;
	p0 =	seq.s32 s7, s2  }
0x1e: {  	s7 =	smul.u32 @!p0 $0xF7A, s2;
	p2 =	seq.s32 @!p0 s5, $0x0  }
0x1f: {  	s9 =	smul.u32 $0xF7A, s1;
	s8 =	simm.s32 @!p0 $0x1BF5;
	p2 =	por !p2, p0  }
0x20: {  	[sflag:s8] =	ssyncset.s32 @!p0 $0xFFFFF086;
	s6 =	sadd.s32 @!p0 s3, s7;
	s7 =	simm.s32 @!p0 $0x108  }
0x21: {  	s3 =	sadd.s32 s3, s9;
	s6 =	sadd.s32 @!p0 $0x88, s6;
	s7 =	simm.s32 @p2 $0x1082  }
0x22: {  	[simem:s7], [sflag:s8] =	dma.local @!p0 [hbm:s6], $0xF7A  }
0x23: {  	s9 =	sor.u32 $0xD0000000, s2;
	s6 =	simm.s32 $0x108;
	_ =	swait.ge @!p0 [sflag:s8], $0x0  }
0x24: {  	s3 =	sadd.s32 $0x88, s3;
	s6 =	simm.s32 @!p1 $0x1082;
	[sflag:s4] =	ssyncset.s32 $0xFFFFF086  }
0x25: {  	[simem:s6], [sflag:s4] =	dma.local [hbm:s3], $0xF7A  }
0x26: {  	[smem:$0x3F94] =	sst s1;
	(tag) =	ssettag s2;
	_ =	strace s9  }
0x27: {  	s1 =	sld [smem:$0x3FA4]  }
0x28: {  	s2 =	sld [smem:$0x3FA5]  }
0x29: {  	s4 =	sld [smem:$0x3FA7]  }
0x2a: {  	p0 =	seq.s32 s5, $0x0;
	s5 =	sld [smem:$0x3FA8]  }
0x2b: {  	s6 =	sld [smem:$0x3FA9]  }
0x2c: {  	s7 =	sld [smem:$0x3FAA]  }
0x2d: {  	s3 =	simm.s32 $0x108;
	s8 =	sld [smem:$0x3FAB]  }
0x2e: {  	s3 =	simm.s32 @!p0 $0x1082;
	s9 =	sld [smem:$0x3FAC]  }
0x2f: {  	lr =	sadd.s32 s0, s3;
	s0 =	sld [smem:$0x3FA3]  }
0x30: {  	s3 =	sld [smem:$0x3FA6]  }
0x31: {  	[smem:$0x3FAF] =	sst s10  }
0x32: {  	s10 =	sld [smem:$0x3FAD];
	_ =	sdelay $0x3  }
0x33: {  	p0 =	seq.s32 s10, $0x1;
	s10 =	sld [smem:$0x3FAF];
	_ =	sdelay $0x3  }
0x34: {  	[smem:$0x3FAF] =	sst s10  }
0x35: {  	s10 =	sld [smem:$0x3FAE];
	_ =	sdelay $0x3  }
0x36: {  	p1 =	seq.s32 s10, $0x1;
	s10 =	sld [smem:$0x3FAF];
	_ =	sdelay $0x3  }
0x37: {  	[smem:$0x3FAF] =	sst s10  }
0x38: {  	s10 =	sld [smem:$0x3FB0]  }
0x39: {  	_ = 	snop;
	(pc) =	sbr.ind lr, $3  }
0x3a: {  	_ = 	snop  }
0x3b: {  	_ = 	snop  }
0x3c: {  	p2 =	seq.s32 s10, $0x1;
	s10 =	sld [smem:$0x3FAF]  }
0x3d: {  	_ =	shalt  }
0x3e: {  	_ =	shalt  }
0x3f: {  	_ =	shalt  }
0x40: {  	_ =	shalt  }
0x41: {  	_ =	shalt  }
0x42: {  	_ =	shalt  }
0x43: {  	_ =	shalt  }
0x44: {  	_ =	shalt  }
0x45: {  	_ =	shalt  }
0x46: {  	_ =	shalt  }
0x47: {  	_ =	shalt  }
0x48: {  	_ =	shalt  }
0x49: {  	_ =	shalt  }
0x4a: {  	_ =	shalt  }
0x4b: {  	_ =	shalt  }
0x4c: {  	_ =	shalt  }
0x4d: {  	_ =	shalt  }
0x4e: {  	_ =	shalt  }
0x4f: {  	_ =	shalt  }
0x50: {  	_ =	shalt  }
0x51: {  	_ =	shalt  }
0x52: {  	_ =	shalt  }
0x53: {  	_ =	shalt  }
0x54: {  	_ =	shalt  }
0x55: {  	_ =	shalt  }
0x56: {  	_ =	shalt  }
0x57: {  	_ =	shalt  }
0x58: {  	_ =	shalt  }
0x59: {  	_ =	shalt  }
0x5a: {  	_ =	shalt  }
0x5b: {  	_ =	shalt  }
0x5c: {  	_ =	shalt  }
0x5d: {  	_ =	shalt  }
0x5e: {  	_ =	shalt  }
0x5f: {  	_ =	shalt  }
0x60: {  	_ =	shalt  }
0x61: {  	_ =	shalt  }
0x62: {  	_ =	shalt  }
0x63: {  	_ =	shalt  }
0x64: {  	_ =	shalt  }
0x65: {  	_ =	shalt  }
0x66: {  	_ =	shalt  }
0x67: {  	_ =	shalt  }
0x68: {  	_ =	shalt  }
0x69: {  	_ =	shalt  }
0x6a: {  	_ =	shalt  }
0x6b: {  	_ =	shalt  }
0x6c: {  	_ =	shalt  }
0x6d: {  	_ =	shalt  }
0x6e: {  	_ =	shalt  }
0x6f: {  	_ =	shalt  }
0x70: {  	_ =	shalt  }
0x71: {  	_ =	shalt  }
0x72: {  	_ =	shalt  }
0x73: {  	_ =	shalt  }
0x74: {  	_ =	shalt  }
0x75: {  	_ =	shalt  }
0x76: {  	_ =	shalt  }
0x77: {  	_ =	shalt  }
0x78: {  	_ =	shalt  }
0x79: {  	_ =	shalt  }
0x7a: {  	_ =	shalt  }
0x7b: {  	_ =	shalt  }
0x7c: {  	_ =	shalt  }
0x7d: {  	_ =	shalt  }
0x7e: {  	_ =	shalt  }
0x7f: {  	_ =	shalt  }
0x80: {  	_ =	shalt  }
0x81: {  	_ =	shalt  }
0x82: {  	_ =	shalt  }
0x83: {  	_ =	shalt  }
0x84: {  	_ =	shalt  }
0x85: {  	_ =	shalt  }
0x86: {  	_ =	shalt  }
0x87: {  	_ =	shalt  }
.Lfunc_end0:
.L_simem_size_0:
called_computation_lowered:
.L_overlay_start_0:
0x88: {  	s2 =	sld [smem:$0x3FD9]  }
0x89: {  	s3 =	sld [smem:$0x3FFE];
	_ =	sdelay $0x1  }
0x8a: {  	s1 =	srdreg.scid  }
0x8b: {  	s0 =	sand.u32 $0x1, s1  }
0x8c: {  	s17 =	sshll.u32 s0, $0xA;
	s2 =	sadd.s32 s3, s2  }
0x8d: {  	s2 =	sadd.s32 s2, s17  }
0x8e: {  	[smem:$0x3FBB] =	sst s2  }
0x8f: {  	_ = 	snop  }
0x90: {  	s2 =	sld [smem:$0x3FD0];
	(tm) =	ssettm $0x1  }
0x91: {  	s18 =	sld [smem:$0x3FFB];
	_ =	sdelay $0x3  }
0x92: {  	_ =	strace s18  }
0x93: {  	s3 =	sld [smem:$0x3FFC];
	_ =	sdelay $0x3  }
0x94: {  	_ =	strace s3  }
0x95: {  	s3 =	sld [smem:$0x3FFD];
	_ =	sdelay $0x3  }
0x96: {  	_ =	strace s3  }
0x97: {  	_ =	strace $0x8FFFFFFF  }
0x98: {  	s19 =	sld [smem:$0x3FDB];
	_ =	sdelay $0x1  }
0x99: {  	s4 =	simm.s32 $_scs_section_size  }
0x9a: {  	s5 =	simm.s32 $_size__tile_overlayer_lowered;
	s6 =	simm.s32 $_tile_overlayer_lowered  }
0x9b: {  	s22 =	simm.s32 $0x1BFF;
	s21 =	sshll.u32 s6, $0x1;
	s3 =	sadd.s32 s4, s19  }
0x9c: {  	s7 =	simm.s32 $0x0;
	s20 =	sshll.u32 s5, $0x1;
	s5 =	sadd.s32 s21, s3  }
0x9d: {  	[timem:s7], [sflag:s22] =	dma.local [hbm:s5], s20  }
0x9e: {  	_ =	swait.ge [sflag:s22], s20  }
0x9f: {  	s4 =	ssub.s32 $0x0, s20;
	[sflag:s22] =	ssyncset.done $0x0  }
0xa0: {  	[sflag:s22] =	ssyncadd.s32 s4;
	_ =	sdelay $0x1  }
0xa1: {  	s23 =	simm.s32 $0x1B8B  }
0xa2: {  	_ =	swait.ge [sflag:s23], $0x1  }
0xa3: {  	[sflag:s23] =	ssyncset.done $0x0  }
0xa4: {  	s25 =	simm.s32 $0x1B8E;
	s24 =	sld [smem:$0x3FFE];
	[sflag:s23] =	ssyncadd.s32 $0xFFFFFFFF  }
0xa5: {  	s26 =	simm.s32 $execute0_lowered;
	[smem:$0x3FD2] =	sst s25  }
0xa6: {  	s5 =	sshll.u32 s26, $0x1;
	_ =	strace $0x80000046;
	[dreg:$0x1] =	wrdreg $0xFFFFFFFF  }
0xa7: {  	s28 =	simm.s32 $_size_execute0_lowered;
	s3 =	sadd.s32 s3, s5;
	[dreg:$0x0] =	wrdreg $0x0  }
0xa8: {  	s5 =	sshll.u32 s28, $0x1;
	[dreg:$0x2] =	wrdreg s3  }
0xa9: {  	[dreg:$0x3] =	wrdreg s5  }
0xaa: {  	[dreg:$0x4] =	wrdreg $0xC0  }
0xab: {  	_ =	task [dreg:s7], $0x5FFFF  }
0xac: {  	[dreg:$0x1] =	wrdreg $0xFFFFFFFF  }
0xad: {  	[dreg:$0x0] =	wrdreg $0x60  }
0xae: {  	[dreg:$0x2] =	wrdreg s2  }
0xaf: {  	[dreg:$0x3] =	wrdreg s24  }
0xb0: {  	[dreg:$0x4] =	wrdreg $0x9  }
0xb1: {  	_ =	task.clear_ibuf [dreg:s7], $0x5FFFF;
	_ =	strace $0x90000046  }
0xb2: {  	s29 =	simm.s32 $0x9;
	_ =	strace $0x80000048  }
0xb3: {  	_ =	swait.ge [sflag:s29], $0x1  }
0xb4: {  	[sflag:s29] =	ssyncadd.s32 $0xFFFFFFFF  }
0xb5: {  	_ =	strace $0x90000048  }
0xb6: {  	_ =	sfence  }
0xb7: {  	s30 =	sld [smem:$0x0];
	_ =	sdelay $0x2  }
0xb8: {  	s31 =	sshll.u32 s1, $0xD;
	s1 =	sshrl.u32 s1, $0x2  }
0xb9: {  	s3 =	sand.u32 $0x4000, s31;
	s1 =	sadd.s32 s1, s30  }
0xba: {  	s0 =	sor.u32 s3, s0;
	s1 =	sshll.u32 s1, $0x11  }
0xbb: {  	s0 =	sor.u32 s1, s0  }
0xbc: {  	s0 =	sadd.s32 $0x8F2B, s0  }
0xbd: {  	[sflag:s0] =	ssyncadd.remote.s32 $0x1  }
0xbe: {  	_ =	sfence.sel $0xFFFF  }
0xbf: {  	[dreg:$0x0] =	wrdreg $0xFFFFFFFF;
	(pc) =	sbr.abs _section_cstart, $3  }
0xc0: {  	[dreg:$0x1] =	wrdreg $0xFFFFFFFF  }
0xc1: {  	_ =	task.clear_ibuf [dreg:s7], $0x2FFFF;
	_ =	strace $0x9FFFFFFF  }
0xc2: {  	(tm) =	ssettm $0x7FFFFFFF  }
0xc3: {  	_ =	shalt  }
tec
execute0_lowered:
.L_overlay_start_1:
0x0: {  	(tag) =	ssettag $0x1  }
0x1: {  	s0 =	srdreg.scid  }
0x2: {  	s6 =	sand.u32 $0x1, s0;
	s0 =	stileid.u32  }
0x3: {  	s2 =	sor.u32 s0, s6  }
0x4: {  	p0 =	sne.s32 s2, $0x0  }
.Ltmp0:
0x5: {  	_ = 	snop;
	(pc) =	sbr.rel @p0 .LBB2_4-.Ltmp0, $4  }
0x6: {  	_ = 	snop  }
0x7: {  	s4 =	rddreg [dreg:$0x0]  }
0x8: {  	s5 =	rddreg [dreg:$0x1]  }
0x9: {  	s1 =	rddreg [dreg:$0x2];
	_ =	strace $0x80000047  }
0xa: {  	s3 =	simm.s32 $0x0;
	s2 =	simm.s32 $0x1  }
0xb: {  	[tilespmem:s3], [sflag:$0x1] =	stream.linear.gather [hbm4b:s4+s3], $0x400, $0x38;
	[tilespmem:$0x800] =	vst v63  }
0xc: {  	_ =	swait.ge [sflag:s2], $0x400  }
0xd: {  	[sflag:s2] =	ssyncset.done $0x0  }
0xe: {  	[sflag:s2] =	ssyncadd.s32 $0xFFFFFC00  }
0xf: {  	v1 =	vld [tilespmem:$0x0]  }
0x10: {  	v2 =	vld [tilespmem:$0x80]  }
0x11: {  	v3 =	vld [tilespmem:$0x100]  }
0x12: {  	v4 =	vld [tilespmem:$0x180]  }
0x13: {  	v5 =	vld [tilespmem:$0x200]  }
0x14: {  	v6 =	vld [tilespmem:$0x280]  }
0x15: {  	v7 =	vld [tilespmem:$0x300];
	v0 =	vmax.f32 v1, v2  }
0x16: {  	v8 =	vld [tilespmem:$0x380];
	v0 =	vmax.f32 v0, v3  }
0x17: {  	v0 =	vmax.f32 v0, v4  }
0x18: {  	v0 =	vmax.f32 v0, v5  }
0x19: {  	v0 =	vmax.f32 v0, v6  }
0x1a: {  	v0 =	vmax.f32 v0, v7  }
0x1b: {  	v9 =	vmax.f32 v0, v8  }
0x1c: {  	v0 =	vimm.s32 $0x8;
	vm0 =	veq.f32 v8, v9  }
0x1d: {  	vm10 =	veq.f32 v7, v9;
	v10 =	vsel vm0, $0x7, v0  }
0x1e: {  	vm11 =	veq.f32 v6, v9;
	v10 =	vsel vm10, $0x6, v10  }
0x1f: {  	vm12 =	veq.f32 v5, v9;
	v10 =	vsel vm11, $0x5, v10  }
0x20: {  	vm1 =	veq.f32 v4, v9;
	v10 =	vsel vm12, $0x4, v10  }
0x21: {  	vm13 =	veq.f32 v3, v9;
	v10 =	vsel vm1, $0x3, v10  }
0x22: {  	vm14 =	veq.f32 v2, v9;
	v10 =	vsel vm13, $0x2, v10  }
0x23: {  	vm3 =	vne.f32 v1, v9;
	v10 =	vsel vm14, $0x1, v10  }
0x24: {  	vm4 =	vmand vm3, vm14;
	v10 =	vnsel vm3, $0x0, v10  }
0x25: {  	v1 =	vnsel vm3, $0xFF800000, v1;
	v2 =	vsel vm4, $0xFF800000, v2;
	vm2 =	veq.s32 v10, $0x2  }
0x26: {  	v11 =	vmax.f32 v1, v2;
	vm5 =	veq.s32 v10, $0x3;
	v3 =	vsel vm2, $0xFF800000, v3  }
0x27: {  	vm1 =	veq.s32 v10, $0x4;
	v4 =	vsel vm5, $0xFF800000, v4;
	v11 =	vmax.f32 v11, v3  }
0x28: {  	vm0 =	veq.s32 v10, $0x5;
	v5 =	vsel vm1, $0xFF800000, v5;
	v11 =	vmax.f32 v11, v4  }
0x29: {  	vm6 =	veq.s32 v10, $0x6;
	v6 =	vsel vm0, $0xFF800000, v6;
	v11 =	vmax.f32 v11, v5  }
0x2a: {  	vm7 =	veq.s32 v10, $0x7;
	v7 =	vsel vm6, $0xFF800000, v7;
	v11 =	vmax.f32 v11, v6  }
0x2b: {  	v8 =	vsel vm7, $0xFF800000, v8;
	v10 =	vmax.f32 v11, v7  }
0x2c: {  	v10 =	vmax.f32 v10, v8  }
0x2d: {  	v9 =	vsub.f32 v10, v9;
	_ =	sdelay $0x1  }
0x2e: {  	v9 =	vmul.f32 $1.442695020e+00, v9;
	_ =	sdelay $0x1  }
0x2f: {  	(erf) = vpow2.f32 v9;
	_ =	sdelay $0x8  }
0x30: {  	v9 =	vpop (erf)  }
0x31: {  	v11 =	vadd.f32 $1.000000000e+00, v9  }
0x32: {  	vm8 =	veq.f32 v8, v10  }
0x33: {  	vm15 =	veq.f32 v7, v10;
	v8 =	vsel vm8, $0x7, v0;
	(erf) = vrcp.f32 v11  }
0x34: {  	vm9 =	veq.f32 v6, v10;
	v6 =	vsel vm15, $0x6, v8  }
0x35: {  	vm12 =	veq.f32 v5, v10;
	v5 =	vsel vm9, $0x5, v6  }
0x36: {  	vm13 =	veq.f32 v4, v10;
	v4 =	vsel vm12, $0x4, v5  }
0x37: {  	vm14 =	veq.f32 v3, v10;
	v3 =	vsel vm13, $0x3, v4  }
0x38: {  	vm15 =	veq.f32 v2, v10;
	v2 =	vsel vm14, $0x2, v3  }
0x39: {  	vm10 =	vne.f32 v1, v10;
	v2 =	vsel vm15, $0x1, v2  }
0x3a: {  	vm9 =	vmand vm10, vm15;
	v1 =	vnsel vm10, $0x0, v2  }
0x3b: {  	s6 =	ssub.s32 $0x2, s6;
	vm11 =	veq.s32 v1, $0x4;
	vm12 =	veq.s32 v1, $0x6;
	vm8 =	veq.s32 v1, $0x7  }
0x3c: {  	s7 =	sshrl.u32 s6, $0x1;
	vm13 =	veq.s32 v1, $0x2;
	vm14 =	veq.s32 v1, $0x3;
	vm15 =	veq.s32 v1, $0x5;
	v7 =	vpop (erf)  }
0x3d: {  	s7 =	ssub.s32 s6, s7;
	v11 =	vmul.f32 v7, v9;
	v8 =	vnsel vm5, $0x0, v7;
	v1 =	vnsel vm7, $0x0, v7  }
0x3e: {  	p0 =	sne.s32 s7, $0x1;
	v2 =	vsel vm3, $0x0, v7;
	v4 =	vnsel vm4, $0x0, v7;
	v3 =	vnsel vm6, $0x0, v7  }
.Ltmp1:
0x3f: {  	v10 =	vnsel vm2, $0x0, v7;
	v5 =	vsel vm10, $0x0, v11;
	v6 =	vnsel vm9, $0x0, v11;
	(pc) =	sbr.rel @!p0 .LBB2_3-.Ltmp1, $4  }
0x40: {  	v12 =	vnsel vm13, $0x0, v11;
	v9 =	vnsel vm14, $0x0, v11;
	v13 =	vnsel vm11, $0x0, v11  }
0x41: {  	v15 =	vnsel vm15, $0x0, v11;
	v14 =	vadd.f32 v9, v8;
	v8 =	vnsel vm1, $0x0, v7  }
0x42: {  	v7 =	vnsel vm0, $0x0, v7;
	v10 =	vadd.f32 v12, v10;
	v9 =	vadd.f32 v13, v8  }
0x43: {  	s5 =	sadd.s32 $0x2200, s5;
	s6 =	simm.s32 $0x400;
	s7 =	sadd.s32 $0xFFFFFFFF, s7;
	v8 =	vnsel vm12, $0x0, v11;
	v7 =	vadd.f32 v15, v7;
	v11 =	vnsel vm8, $0x0, v11;
	[tilespmem:$0x580] =	vst v14  }
.LBB2_2:
0x44: {  	p0 =	sne.s32 s7, $0x1;
	s7 =	sadd.s32 $0xFFFFFFFF, s7;
	v4 =	vadd.f32 v6, v4;
	[tilespmem:$0x600] =	vst v9;
	v1 =	vadd.f32 v11, v1  }
0x45: {  	v2 =	vadd.f32 v5, v2;
	v3 =	vadd.f32 v8, v3;
	[tilespmem:$0x500] =	vst v10  }
0x46: {  	[tilespmem:$0x480] =	vst v4  }
0x47: {  	[tilespmem:$0x400] =	vst v2  }
0x48: {  	[tilespmem:$0x700] =	vst v3  }
0x49: {  	[tilespmem:$0x680] =	vst v7  }
0x4a: {  	[tilespmem:$0x780] =	vst v1  }
0x4b: {  	[hbm4b:s5+s3] =	stream.linear.scatter [tilespmem:s6], [sflag:$0x1], $0x400, $0x38;
	[tilespmem:$0x800] =	vst v63  }
0x4c: {  	_ =	swait.ge [sflag:s2], $0x400  }
0x4d: {  	[sflag:s2] =	ssyncset.done $0x0  }
0x4e: {  	[sflag:s2] =	ssyncadd.s32 $0xFFFFFC00  }
0x4f: {  	[tilespmem:s3], [sflag:$0x1] =	stream.linear.gather [hbm4b:s4+s3], $0x400, $0x38;
	[tilespmem:$0x800] =	vst v63  }
0x50: {  	_ =	swait.ge [sflag:s2], $0x400  }
0x51: {  	[sflag:s2] =	ssyncset.done $0x0  }
0x52: {  	[sflag:s2] =	ssyncadd.s32 $0xFFFFFC00  }
0x53: {  	v1 =	vld [tilespmem:$0x0]  }
0x54: {  	v2 =	vld [tilespmem:$0x80]  }
0x55: {  	v3 =	vld [tilespmem:$0x100]  }
0x56: {  	v4 =	vld [tilespmem:$0x180]  }
0x57: {  	v5 =	vld [tilespmem:$0x200]  }
0x58: {  	v6 =	vld [tilespmem:$0x280]  }
0x59: {  	v7 =	vld [tilespmem:$0x300];
	v8 =	vmax.f32 v1, v2  }
0x5a: {  	v9 =	vld [tilespmem:$0x380];
	v8 =	vmax.f32 v8, v3  }
0x5b: {  	v8 =	vmax.f32 v8, v4  }
0x5c: {  	v8 =	vmax.f32 v8, v5  }
0x5d: {  	v8 =	vmax.f32 v8, v6  }
0x5e: {  	v8 =	vmax.f32 v8, v7  }
0x5f: {  	v8 =	vmax.f32 v8, v9  }
0x60: {  	vm0 =	veq.f32 v9, v8;
	vm1 =	veq.f32 v4, v8;
	vm2 =	veq.f32 v3, v8  }
0x61: {  	vm3 =	veq.f32 v2, v8;
	v10 =	vsel vm0, $0x7, v0;
	vm0 =	veq.f32 v7, v8  }
0x62: {  	v10 =	vsel vm0, $0x6, v10;
	vm0 =	veq.f32 v6, v8  }
0x63: {  	v10 =	vsel vm0, $0x5, v10;
	vm0 =	veq.f32 v5, v8  }
0x64: {  	v10 =	vsel vm0, $0x4, v10  }
0x65: {  	v10 =	vsel vm1, $0x3, v10  }
0x66: {  	v10 =	vsel vm2, $0x2, v10  }
0x67: {  	vm1 =	vne.f32 v1, v8;
	v10 =	vsel vm3, $0x1, v10  }
0x68: {  	v1 =	vnsel vm1, $0xFF800000, v1;
	vm3 =	vmand vm1, vm3;
	v10 =	vnsel vm1, $0x0, v10  }
0x69: {  	v2 =	vsel vm3, $0xFF800000, v2;
	vm2 =	veq.s32 v10, $0x2;
	vm5 =	veq.s32 v10, $0x3  }
0x6a: {  	v11 =	vmax.f32 v1, v2;
	vm0 =	veq.s32 v10, $0x5;
	v3 =	vsel vm2, $0xFF800000, v3  }
0x6b: {  	vm4 =	veq.s32 v10, $0x4;
	v4 =	vsel vm5, $0xFF800000, v4;
	v11 =	vmax.f32 v11, v3  }
0x6c: {  	v5 =	vsel vm4, $0xFF800000, v5;
	v11 =	vmax.f32 v11, v4  }
0x6d: {  	vm6 =	veq.s32 v10, $0x6;
	v6 =	vsel vm0, $0xFF800000, v6;
	v11 =	vmax.f32 v11, v5  }
0x6e: {  	vm7 =	veq.s32 v10, $0x7;
	v7 =	vsel vm6, $0xFF800000, v7;
	v11 =	vmax.f32 v11, v6  }
0x6f: {  	v9 =	vsel vm7, $0xFF800000, v9;
	v10 =	vmax.f32 v11, v7  }
0x70: {  	v10 =	vmax.f32 v10, v9  }
0x71: {  	vm8 =	veq.f32 v9, v10;
	vm9 =	veq.f32 v6, v10;
	v6 =	vsub.f32 v10, v8  }
0x72: {  	vm10 =	veq.f32 v5, v10;
	v8 =	vsel vm8, $0x7, v0;
	vm8 =	veq.f32 v7, v10  }
0x73: {  	v5 =	vsel vm8, $0x6, v8;
	vm8 =	veq.f32 v4, v10;
	v4 =	vmul.f32 $1.442695020e+00, v6  }
0x74: {  	vm11 =	veq.f32 v2, v10;
	v5 =	vsel vm9, $0x5, v5;
	vm9 =	veq.f32 v3, v10  }
0x75: {  	v2 =	vsel vm10, $0x4, v5;
	(erf) = vpow2.f32 v4  }
0x76: {  	v2 =	vsel vm8, $0x3, v2  }
0x77: {  	v2 =	vsel vm9, $0x2, v2  }
0x78: {  	vm8 =	vne.f32 v1, v10;
	v2 =	vsel vm11, $0x1, v2  }
0x79: {  	vm9 =	vmand vm8, vm11;
	v1 =	vnsel vm8, $0x0, v2;
	_ =	sdelay $0x4  }
0x7a: {  	v2 =	vpop (erf)  }
0x7b: {  	v3 =	vadd.f32 $1.000000000e+00, v2;
	_ =	sdelay $0x1  }
0x7c: {  	(erf) = vrcp.f32 v3;
	_ =	sdelay $0x7  }
0x7d: {  	vm11 =	veq.s32 v1, $0x4;
	vm12 =	veq.s32 v1, $0x6;
	vm10 =	veq.s32 v1, $0x7  }
0x7e: {  	vm13 =	veq.s32 v1, $0x2;
	vm14 =	veq.s32 v1, $0x3;
	vm15 =	veq.s32 v1, $0x5;
	v7 =	vpop (erf)  }
0x7f: {  	v11 =	vmul.f32 v7, v2;
	v8 =	vnsel vm5, $0x0, v7;
	v1 =	vnsel vm7, $0x0, v7  }
0x80: {  	v2 =	vsel vm1, $0x0, v7;
	v4 =	vnsel vm3, $0x0, v7;
	v3 =	vnsel vm6, $0x0, v7  }
.Ltmp2:
0x81: {  	v10 =	vnsel vm2, $0x0, v7;
	v5 =	vsel vm8, $0x0, v11;
	v6 =	vnsel vm9, $0x0, v11;
	(pc) =	sbr.rel @p0 .LBB2_2-.Ltmp2, $4  }
0x82: {  	v12 =	vnsel vm13, $0x0, v11;
	v9 =	vnsel vm14, $0x0, v11;
	v13 =	vnsel vm11, $0x0, v11  }
0x83: {  	v15 =	vnsel vm15, $0x0, v11;
	v14 =	vadd.f32 v9, v8;
	v8 =	vnsel vm4, $0x0, v7  }
0x84: {  	v7 =	vnsel vm0, $0x0, v7;
	v9 =	vadd.f32 v13, v8;
	v8 =	vnsel vm12, $0x0, v11  }
0x85: {  	v10 =	vadd.f32 v12, v10;
	v7 =	vadd.f32 v15, v7;
	v11 =	vnsel vm10, $0x0, v11;
	[tilespmem:$0x580] =	vst v14  }
.LBB2_3:
0x86: {  	[tilespmem:$0x600] =	vst v9  }
0x87: {  	v0 =	vadd.f32 v6, v4;
	[tilespmem:$0x500] =	vst v10  }
0x88: {  	v2 =	vadd.f32 v5, v2;
	[tilespmem:$0x680] =	vst v7  }
0x89: {  	v3 =	vadd.f32 v8, v3;
	[tilespmem:$0x480] =	vst v0  }
0x8a: {  	v63 =	vadd.f32 v11, v1;
	[tilespmem:$0x400] =	vst v2  }
0x8b: {  	[tilespmem:$0x700] =	vst v3  }
0x8c: {  	[tilespmem:$0x780] =	vst v63  }
0x8d: {  	[hbm4b:s5+s3] =	stream.linear.scatter [tilespmem:s6], [sflag:$0x1], $0x400, $0x38;
	[tilespmem:$0x800] =	vst v63  }
0x8e: {  	_ =	swait.ge [sflag:s2], $0x400  }
0x8f: {  	[sflag:s2] =	ssyncset.done $0x0  }
0x90: {  	[sflag:s2] =	ssyncadd.s32 $0xFFFFFC00  }
.LBB2_4:
0x91: {  	_ =	sfence.sel $0x180000  }
0x92: {  	[bflag:$0x0] =	sbarrier.arrive $0xFFFF  }
0x93: {  	p0 =	sne.s32 s0, $0x0;
	_ =	strace $0x90000047  }
0x94: {  	s0 =	sadd.s32 @!p0 $0x100000, s1;
	[bflag:$0x2] =	sbarrier.arrive $0xFFFF  }
0x95: {  	[sflag:s0] =	ssyncadd.tile.s32 @!p0 $0x1;
	_ =	shalt  }
.Lfunc_end2:
_tile_overlayer_lowered:
.L_overlay_start_2:
0x96: {  	(tag) =	ssettag $0x2  }
0x97: {  	s0 =	rddreg [dreg:$0x0];
	s2 =	stileid.u32  }
0x98: {  	s1 =	rddreg [dreg:$0x1];
	p0 =	sne.s32 s2, $0x0  }
0x99: {  	s3 =	rddreg [dreg:$0x2];
	[bflag:$0x3] =	sbarrier.arrive $0xFFFF;
	s2 =	simm.s32 @!p0 $0x1C01  }
0x9a: {  	[timem:s3], [sflag:s2] =	dma.local @!p0 [hbm:s0], s1  }
0x9b: {  	s0 =	simm.s32 @!p0 $0x1  }
0x9c: {  	_ =	swait.ge @!p0 [sflag:s0], s1  }
0x9d: {  	s1 =	ssub.s32 @!p0 $0x0, s1;
	[sflag:s0] =	ssyncset.done @!p0 $0x0  }
0x9e: {  	[sflag:s0] =	ssyncadd.s32 @!p0 s1  }
0x9f: {  	[bflag:$0x3] =	sbarrier.arrive $0xFFFF  }
0xa0: {  	_ =	shalt  }

</sc_bundles>
